<compile_context>
chip_gen: v7x
topology: tpu7x:2x2x1
jax: 0.10.2.dev20260603
libtpu: 0.0.44.dev20260713+nightly
codegen_flags: <defaults>
</compile_context>

<pallas_src>
import functools

import jax
import jax.numpy as jnp
from jax import lax
from jax.experimental import pallas as pl
from jax.experimental.pallas import tpu as pltpu
from jax.experimental.pallas import tpu_sc as plsc

N = 2048
C = 256
E = 32
FF = 1024
BLK = 128
NCHUNK = N // BLK
NBLK = 63
P_PAD = NBLK * BLK
NA = 2 * N


def _route_body(x_ref, wg_ref, rs_ref, pall_ref, w0_ref, w1_ref,
                eoff_ref, eblk_ref):
    x = x_ref[...]
    wg = wg_ref[...]
    logits = lax.dot_general(x, wg, (((1,), (1,)), ((), ())),
                             preferred_element_type=jnp.float32,
                             precision=lax.Precision.DEFAULT)

    lane = lax.broadcasted_iota(jnp.int32, (N, E), 1)
    m1 = jnp.max(logits, axis=1, keepdims=True)
    i1 = jnp.min(jnp.where(logits == m1, lane, E), axis=1, keepdims=True)
    masked = jnp.where(lane == i1, -jnp.inf, logits)
    m2 = jnp.max(masked, axis=1, keepdims=True)
    i2 = jnp.min(jnp.where(masked == m2, lane, E), axis=1, keepdims=True)

    e2 = jnp.exp(m2 - m1)
    w0 = 1.0 / (1.0 + e2)
    w1 = e2 / (1.0 + e2)
    w0_ref[...] = w0
    w1_ref[...] = w1
    rs_ref[...] = (jnp.where(lane == i1, w0, 0.0)
                   + jnp.where(lane == i2, w1, 0.0))

    oh0 = (lane == i1).astype(jnp.float32)
    oh1 = (lane == i2).astype(jnp.float32)
    oh0c = oh0.reshape(NCHUNK, BLK, E)
    oh1c = oh1.reshape(NCHUNK, BLK, E)
    s0 = jnp.sum(oh0c, axis=1)
    s1 = jnp.sum(oh1c, axis=1)
    tot0 = jnp.sum(s0, axis=0, keepdims=True)
    counts = tot0 + jnp.sum(s1, axis=0, keepdims=True)

    nblk = jnp.floor((counts + (BLK - 1)) * (1.0 / BLK))
    er = lax.broadcasted_iota(jnp.int32, (E, E), 0)
    ec = lax.broadcasted_iota(jnp.int32, (E, E), 1)
    upper = (er < ec).astype(jnp.float32)
    blkoff = lax.dot_general(nblk, upper, (((1,), (0,)), ((), ())),
                             preferred_element_type=jnp.float32)
    aoff = blkoff * float(BLK)
    eoff_ref[...] = blkoff.astype(jnp.int32)
    eblk_ref[...] = nblk.astype(jnp.int32)

    cr = lax.broadcasted_iota(jnp.int32, (NCHUNK, NCHUNK), 0)
    cc = lax.broadcasted_iota(jnp.int32, (NCHUNK, NCHUNK), 1)
    lc = (cc < cr).astype(jnp.float32)
    c0 = jnp.dot(lc, s0, preferred_element_type=jnp.float32)
    c1 = jnp.dot(lc, s1, preferred_element_type=jnp.float32) + tot0

    rr = lax.broadcasted_iota(jnp.int32, (BLK, BLK), 0)
    rc = lax.broadcasted_iota(jnp.int32, (BLK, BLK), 1)
    ls = (rc < rr).astype(jnp.float32)

    for c in range(NCHUNK):
        ex0 = jnp.dot(ls, oh0c[c], preferred_element_type=jnp.float32)
        ex1 = jnp.dot(ls, oh1c[c], preferred_element_type=jnp.float32)
        pos0 = jnp.sum(oh0c[c] * (ex0 + c0[c:c + 1, :] + aoff),
                       axis=1, keepdims=True)
        pos1 = jnp.sum(oh1c[c] * (ex1 + c1[c:c + 1, :] + aoff),
                       axis=1, keepdims=True)
        pall_ref[c * BLK:(c + 1) * BLK, :] = pos0.astype(jnp.int32)
        pall_ref[N + c * BLK:N + (c + 1) * BLK, :] = pos1.astype(jnp.int32)


def _route(x_flat, wg):
    outs = (
        jax.ShapeDtypeStruct((N, E), jnp.float32),
        jax.ShapeDtypeStruct((NA, 1), jnp.int32),
        jax.ShapeDtypeStruct((N, 1), jnp.float32),
        jax.ShapeDtypeStruct((N, 1), jnp.float32),
        jax.ShapeDtypeStruct((1, E), jnp.int32),
        jax.ShapeDtypeStruct((1, E), jnp.int32),
    )
    return pl.pallas_call(_route_body, out_shape=outs)(x_flat, wg)


_NW = 32
_TOK_W = N // _NW
_ROWS_W = NA // _NW


def _sc_mesh():
    return plsc.VectorSubcoreMesh(core_axis_name="c", subcore_axis_name="s")


def _sc_scatter(x_flat, pall):
    @functools.partial(
        pl.kernel,
        mesh=_sc_mesh(),
        out_type=jax.ShapeDtypeStruct((P_PAD, C), jnp.float32),
        scratch_types=[
            pltpu.VMEM((_ROWS_W,), jnp.int32),
            pltpu.VMEM((_ROWS_W, C), jnp.float32),
            pltpu.SemaphoreType.DMA,
            pltpu.SemaphoreType.DMA,
        ],
    )
    def k(x_hbm, idx_hbm, out_hbm, idx_v, rows_v, sem_i, sem_x):
        wid = lax.axis_index("s") * 2 + lax.axis_index("c")
        kk = wid % 2
        ww = wid // 2
        ci = pltpu.async_copy(idx_hbm.at[pl.ds(kk * N + ww * _ROWS_W, _ROWS_W)],
                              idx_v, sem_i)
        cx = pltpu.async_copy(x_hbm.at[pl.ds(ww * _ROWS_W, _ROWS_W)],
                              rows_v, sem_x)
        ci.wait()
        cx.wait()
        pltpu.sync_copy(rows_v, out_hbm.at[idx_v])

    return k(x_flat, pall)


def _sc_gather(table, pall):
    @functools.partial(
        pl.kernel,
        mesh=_sc_mesh(),
        out_type=jax.ShapeDtypeStruct((NA, C), jnp.float32),
        scratch_types=[
            pltpu.VMEM((_ROWS_W,), jnp.int32),
            pltpu.VMEM((_ROWS_W, C), jnp.float32),
            pltpu.SemaphoreType.DMA,
        ],
    )
    def k(tab_hbm, idx_hbm, out_hbm, idx_v, rows_v, sem):
        wid = lax.axis_index("s") * 2 + lax.axis_index("c")
        base = wid * _ROWS_W
        pltpu.sync_copy(idx_hbm.at[pl.ds(base, _ROWS_W)], idx_v)
        pltpu.async_copy(tab_hbm.at[idx_v], rows_v, sem).wait()
        pltpu.sync_copy(rows_v, out_hbm.at[pl.ds(base, _ROWS_W)])

    return k(table, pall)


EPS = 4


def _gmm_step(eoff_ref, eblk_ref, xs_ref, w1_ref, w2_ref, out_ref):
    s = pl.program_id(0)

    def _mlp(w1, w2, r0, m):
        xb = xs_ref[pl.ds(r0, m), :]
        h = lax.dot_general(xb, w1, (((1,), (1,)), ((), ())),
                            preferred_element_type=jnp.float32,
                            precision=lax.Precision.DEFAULT)
        h = jnp.square(jnp.maximum(h, 0.0))
        out_ref[pl.ds(r0, m), :] = lax.dot_general(
            h, w2, (((1,), (1,)), ((), ())),
            preferred_element_type=jnp.float32,
            precision=lax.Precision.DEFAULT)

    for i in range(EPS):
        e = s * EPS + i
        off = eoff_ref[e]
        nb = eblk_ref[e]
        w1 = w1_ref[i]
        w2 = w2_ref[i]

        def body(j, carry, w1=w1, w2=w2, off=off):
            _mlp(w1, w2, off * BLK + j * (2 * BLK), 2 * BLK)
            return carry

        lax.fori_loop(0, nb // 2, body, 0)

        @pl.when(nb % 2 == 1)
        def _tail(w1=w1, w2=w2, off=off, nb=nb):
            _mlp(w1, w2, (off + nb - 1) * BLK, BLK)


def _gmm(eoff, eblk, xs, w1, w2):
    grid_spec = pltpu.PrefetchScalarGridSpec(
        num_scalar_prefetch=2,
        grid=(E // EPS,),
        in_specs=[
            pl.BlockSpec((P_PAD, C), lambda s, o, nb: (0, 0)),
            pl.BlockSpec((EPS, FF, C), lambda s, o, nb: (s, 0, 0)),
            pl.BlockSpec((EPS, C, FF), lambda s, o, nb: (s, 0, 0)),
        ],
        out_specs=pl.BlockSpec((P_PAD, C), lambda s, o, nb: (0, 0)),
    )
    return pl.pallas_call(
        _gmm_step,
        grid_spec=grid_spec,
        out_shape=jax.ShapeDtypeStruct((P_PAD, C), jnp.float32),
    )(eoff, eblk, xs, w1, w2)


def _combine_body(g_ref, w0_ref, w1_ref, out_ref):
    out_ref[...] = (g_ref[0:N, :] * w0_ref[...]
                    + g_ref[N:NA, :] * w1_ref[...])


def _combine(g, w0, w1):
    return pl.pallas_call(
        _combine_body,
        out_shape=jax.ShapeDtypeStruct((N, C), jnp.float32),
    )(g, w0, w1)


def kernel(x, Wg, W1, W2):
    bsz, t, c = x.shape
    x_flat = x.reshape(N, C)
    rs, pall, w0, w1, eoff, eblk = _route(x_flat, Wg)
    pf = pall.reshape(-1)
    xs = _sc_scatter(x_flat, pf)
    outs = _gmm(eoff.reshape(-1), eblk.reshape(-1), xs, W1, W2)
    g = _sc_gather(outs, pf)
    out = _combine(g, w0, w1)
    return out.reshape(bsz, t, c), rs

# --- scband reference (transcript-rebuilt; emitter-appended) ---
"""Pipeline reference for scband-dsmo-e-84585085927449 (READ-ONLY COPY).

The authoritative reference and input builder live on the scoring server;
editing this copy changes nothing except your own understanding.
"""

import jax, jax.numpy as jnp
import numpy as np

B, T, C = 1, 2048, 256
E, K, FF = 32, 2, 1024


def setup_inputs(seed: int = 0) -> dict:
    key = jax.random.key(seed)
    ks = jax.random.split(key, 4)
    x = jax.random.normal(ks[0], (B, T, C), dtype=jnp.float32)
    Wg = jax.random.normal(ks[1], (E, C), dtype=jnp.float32) * 0.02
    W1 = jax.random.normal(ks[2], (E, FF, C), dtype=jnp.float32) * 0.02
    W2 = jax.random.normal(ks[3], (E, C, FF), dtype=jnp.float32) * 0.02
    return {"x": x, "Wg": Wg, "W1": W1, "W2": W2}


def reference(x, Wg, W1, W2):
    # Eval-mode DSMoE: UnitCenteredNoise and Dropout are identity in eval.
    b, t, c = x.shape
    n = b * t
    x_flat = x.reshape(n, c)
    # gate: Linear(n_embd, n_experts, bias=False)
    gate_logits = x_flat @ Wg.T
    gate_probs = jax.nn.softmax(gate_logits, axis=-1)
    top_k_weights, top_k_indices = jax.lax.top_k(gate_probs, K)
    top_k_weights_norm = top_k_weights / jnp.clip(
        jnp.sum(top_k_weights, axis=-1, keepdims=True), 1e-6, None
    )
    # sparse router weight matrix [n, E] (scatter of normalized top-k weights)
    row_idx = jnp.arange(n)[:, None]
    router_weights_sparse = jnp.zeros((n, E), dtype=x_flat.dtype).at[
        row_idx, top_k_indices
    ].set(top_k_weights_norm)
    # Dense-equivalent expert computation: output = sum_e w_sparse[:, e] * MLP_e(x)
    # MLP_e: relu(x @ W1[e].T)^2 @ W2[e].T  (relu(x).square() activation)
    h = jnp.einsum('nc,efc->nef', x_flat, W1)
    h = jnp.square(jax.nn.relu(h))
    expert_out = jnp.einsum('nef,ecf->nec', h, W2)
    output_flat = jnp.einsum('ne,nec->nc', router_weights_sparse, expert_out)
    return output_flat.reshape(b, t, c), router_weights_sparse

if __name__ == "__main__":
    import jax
    _d = setup_inputs()
    print(jax.jit(kernel)(*tuple(_d.values())))

</pallas_src>

<mosaic_0001>
#map = affine_map<(d0, d1) -> (0, 0)>
#map1 = affine_map<(d0, d1) -> (0)>
module attributes {stable_mosaic.version = 14 : i64} {
  func.func @k(%arg0: i32, %arg1: i32, %arg2: memref<2048x256xf32, #tpu.memory_space<hbm>>, %arg3: memref<4096xi32, #tpu.memory_space<hbm>>, %arg4: memref<8064x256xf32, #tpu.memory_space<hbm>>, %arg5: memref<128xi32, #tpu.memory_space<vmem>>, %arg6: memref<128x256xf32, #tpu.memory_space<vmem>>, %arg7: memref<!tpu.dma_semaphore, #tpu.memory_space<semaphore_mem>>, %arg8: memref<!tpu.dma_semaphore, #tpu.memory_space<semaphore_mem>>) attributes {dimension_semantics = [#tpu.dimension_semantics<core_parallel>, #tpu.dimension_semantics<subcore_parallel>], iteration_bounds = array<i64: 2, 16>, scalar_prefetch = 0 : i64, scratch_operands = 4 : i64, tpu.core_type = #tpu.core_type<sc_vector_subcore>, window_params = [{transform_indices = #map}, {transform_indices = #map1}, {transform_indices = #map}]} {
    %mul3A = arith.constant 2 : i32
    %mul3A_0 = arith.muli %arg1, %mul3A : i32
    %add3A = arith.addi %mul3A_0, %arg0 : i32
    %jit3A = arith.constant 2 : i32
    %eq3A = arith.constant 0 : i32
    %eq3A_1 = arith.cmpi eq, %jit3A, %eq3A : i32
    %jit3A_2 = arith.constant 1 : i32
    %select_n3A = arith.select %eq3A_1, %jit3A_2, %jit3A : i32
    %rem3A = arith.remsi %add3A, %select_n3A : i32
    %ne3A = arith.constant 0 : i32
    %ne3A_3 = arith.cmpi ne, %rem3A, %ne3A : i32
    %lt3A = arith.constant 0 : i32
    %lt3A_4 = arith.cmpi slt, %rem3A, %lt3A : i32
    %lt3A_5 = arith.constant 0 : i32
    %lt3A_6 = arith.cmpi slt, %select_n3A, %lt3A_5 : i32
    %ne3A_7 = arith.xori %lt3A_4, %lt3A_6 : i1
    %and3A = arith.andi %ne3A_7, %ne3A_3 : i1
    %add3A_8 = arith.addi %rem3A, %select_n3A : i32
    %select_n3A_9 = arith.select %and3A, %add3A_8, %rem3A : i32
    %jit3A_10 = arith.constant 2 : i32
    %div3A = arith.divsi %add3A, %jit3A_10 : i32
    %sign3A = arith.constant 0 : i32
    %sign3A_11 = arith.cmpi sgt, %add3A, %sign3A : i32
    %sign3A_12 = arith.extui %sign3A_11 : i1 to i32
    %sign3A_13 = arith.constant 0 : i32
    %sign3A_14 = arith.cmpi slt, %add3A, %sign3A_13 : i32
    %sign3A_15 = arith.extui %sign3A_14 : i1 to i32
    %sign3A_16 = arith.subi %sign3A_12, %sign3A_15 : i32
    %sign3A_17 = arith.constant 0 : i32
    %sign3A_18 = arith.cmpi sgt, %jit3A_10, %sign3A_17 : i32
    %sign3A_19 = arith.extui %sign3A_18 : i1 to i32
    %sign3A_20 = arith.constant 0 : i32
    %sign3A_21 = arith.cmpi slt, %jit3A_10, %sign3A_20 : i32
    %sign3A_22 = arith.extui %sign3A_21 : i1 to i32
    %sign3A_23 = arith.subi %sign3A_19, %sign3A_22 : i32
    %ne3A_24 = arith.cmpi ne, %sign3A_16, %sign3A_23 : i32
    %rem3A_25 = arith.remsi %add3A, %jit3A_10 : i32
    %ne3A_26 = arith.constant 0 : i32
    %ne3A_27 = arith.cmpi ne, %rem3A_25, %ne3A_26 : i32
    %and3A_28 = arith.andi %ne3A_24, %ne3A_27 : i1
    %sub3A = arith.constant 1 : i32
    %sub3A_29 = arith.subi %div3A, %sub3A : i32
    %select_n3A_30 = arith.select %and3A_28, %sub3A_29, %div3A : i32
    %mul3A_31 = arith.constant 2048 : i32
    %mul3A_32 = arith.muli %select_n3A_9, %mul3A_31 : i32
    %mul3A_33 = arith.constant 128 : i32
    %mul3A_34 = arith.muli %select_n3A_30, %mul3A_33 : i32
    %add3A_35 = arith.addi %mul3A_32, %mul3A_34 : i32
    %dma_start3A = tpu.memref_slice %arg3[%add3A_35] : memref<4096xi32, #tpu.memory_space<hbm>> -> memref<128xi32, #tpu.memory_space<hbm>>
    %dma_start3A_36 = tpu.memref_slice %arg3[%add3A_35] : memref<4096xi32, #tpu.memory_space<hbm>> -> memref<128xi32, #tpu.memory_space<hbm>>
    tpu.enqueue_dma source(%dma_start3A_36 : memref<128xi32, #tpu.memory_space<hbm>>) target(%arg5 : memref<128xi32, #tpu.memory_space<vmem>>) target_semaphore(%arg7 : memref<!tpu.dma_semaphore, #tpu.memory_space<semaphore_mem>>)
    %mul3A_37 = arith.constant 128 : i32
    %mul3A_38 = arith.muli %select_n3A_30, %mul3A_37 : i32
    %dma_start3A_39 = arith.constant 0 : i32
    %dma_start3A_40 = tpu.memref_slice %arg2[%mul3A_38, %dma_start3A_39] : memref<2048x256xf32, #tpu.memory_space<hbm>> -> memref<128x256xf32, #tpu.memory_space<hbm>>
    %dma_start3A_41 = arith.constant 0 : i32
    %dma_start3A_42 = tpu.memref_slice %arg2[%mul3A_38, %dma_start3A_41] : memref<2048x256xf32, #tpu.memory_space<hbm>> -> memref<128x256xf32, #tpu.memory_space<hbm>>
    tpu.enqueue_dma source(%dma_start3A_42 : memref<128x256xf32, #tpu.memory_space<hbm>>) target(%arg6 : memref<128x256xf32, #tpu.memory_space<vmem>>) target_semaphore(%arg8 : memref<!tpu.dma_semaphore, #tpu.memory_space<semaphore_mem>>)
    %dma_wait3A = tpu.memref_slice %arg3[%add3A_35] : memref<4096xi32, #tpu.memory_space<hbm>> -> memref<128xi32, #tpu.memory_space<hbm>>
    %dma_wait3A_43 = tpu.memref_slice %arg3[%add3A_35] : memref<4096xi32, #tpu.memory_space<hbm>> -> memref<128xi32, #tpu.memory_space<hbm>>
    tpu.wait_dma2 semaphore(%arg7 : memref<!tpu.dma_semaphore, #tpu.memory_space<semaphore_mem>>) src(%dma_wait3A_43 : memref<128xi32, #tpu.memory_space<hbm>>) dst(%arg5 : memref<128xi32, #tpu.memory_space<vmem>>)
    %dma_wait3A_44 = arith.constant 0 : i32
    %dma_wait3A_45 = tpu.memref_slice %arg2[%mul3A_38, %dma_wait3A_44] : memref<2048x256xf32, #tpu.memory_space<hbm>> -> memref<128x256xf32, #tpu.memory_space<hbm>>
    %dma_wait3A_46 = arith.constant 0 : i32
    %dma_wait3A_47 = tpu.memref_slice %arg2[%mul3A_38, %dma_wait3A_46] : memref<2048x256xf32, #tpu.memory_space<hbm>> -> memref<128x256xf32, #tpu.memory_space<hbm>>
    tpu.wait_dma2 semaphore(%arg8 : memref<!tpu.dma_semaphore, #tpu.memory_space<semaphore_mem>>) src(%dma_wait3A_47 : memref<128x256xf32, #tpu.memory_space<hbm>>) dst(%arg6 : memref<128x256xf32, #tpu.memory_space<vmem>>)
    "tpu.region"() ({
      %run_scoped3A = tpu.sem_alloc : memref<!tpu.dma_semaphore, #tpu.memory_space<semaphore_mem>>
      %dma_start3A_48 = arith.constant 0 : i32
      %dma_start3A_49 = arith.constant 0 : i32
      %dma_start3A_50 = tpu.memref_slice %arg4[%dma_start3A_48, %dma_start3A_49] : memref<8064x256xf32, #tpu.memory_space<hbm>> -> memref<8064x256xf32, #tpu.memory_space<hbm>>
      tpu.enqueue_indirect_dma source(%arg6 : memref<128x256xf32, #tpu.memory_space<vmem>>) target(%dma_start3A_50 : memref<8064x256xf32, #tpu.memory_space<hbm>>) offsets(%arg5 : memref<128xi32, #tpu.memory_space<vmem>>) semaphore(%run_scoped3A : memref<!tpu.dma_semaphore, #tpu.memory_space<semaphore_mem>>)
      %dma_wait3A_51 = arith.constant 0 : i32
      %dma_wait3A_52 = arith.constant 0 : i32
      %dma_wait3A_53 = tpu.memref_slice %arg4[%dma_wait3A_51, %dma_wait3A_52] : memref<8064x256xf32, #tpu.memory_space<hbm>> -> memref<8064x256xf32, #tpu.memory_space<hbm>>
      tpu.wait_indirect_dma semaphore(%run_scoped3A : memref<!tpu.dma_semaphore, #tpu.memory_space<semaphore_mem>>) src(%arg6 : memref<128x256xf32, #tpu.memory_space<vmem>>) dst(%dma_wait3A_53 : memref<8064x256xf32, #tpu.memory_space<hbm>>)
      tpu.yield
    }) : () -> ()
    return
  }
}

#map = affine_map<(d0, d1) -> (0, 0)>
#map1 = affine_map<(d0, d1) -> (0)>
module attributes {stable_mosaic.version = 14 : i64} {
  func.func @k(%arg0: i32, %arg1: i32, %arg2: memref<8064x256xf32, #tpu.memory_space<hbm>>, %arg3: memref<4096xi32, #tpu.memory_space<hbm>>, %arg4: memref<4096x256xf32, #tpu.memory_space<hbm>>, %arg5: memref<128xi32, #tpu.memory_space<vmem>>, %arg6: memref<128x256xf32, #tpu.memory_space<vmem>>, %arg7: memref<!tpu.dma_semaphore, #tpu.memory_space<semaphore_mem>>) attributes {dimension_semantics = [#tpu.dimension_semantics<core_parallel>, #tpu.dimension_semantics<subcore_parallel>], iteration_bounds = array<i64: 2, 16>, scalar_prefetch = 0 : i64, scratch_operands = 3 : i64, tpu.core_type = #tpu.core_type<sc_vector_subcore>, window_params = [{transform_indices = #map}, {transform_indices = #map1}, {transform_indices = #map}]} {
    %mul3A = arith.constant 2 : i32
    %mul3A_0 = arith.muli %arg1, %mul3A : i32
    %add3A = arith.addi %mul3A_0, %arg0 : i32
    %mul3A_1 = arith.constant 128 : i32
    %mul3A_2 = arith.muli %add3A, %mul3A_1 : i32
    "tpu.region"() ({
      %run_scoped3A = tpu.sem_alloc : memref<!tpu.dma_semaphore, #tpu.memory_space<semaphore_mem>>
      %dma_start3A_7 = tpu.memref_slice %arg3[%mul3A_2] : memref<4096xi32, #tpu.memory_space<hbm>> -> memref<128xi32, #tpu.memory_space<hbm>>
      %dma_start3A_8 = tpu.memref_slice %arg3[%mul3A_2] : memref<4096xi32, #tpu.memory_space<hbm>> -> memref<128xi32, #tpu.memory_space<hbm>>
      tpu.enqueue_dma source(%dma_start3A_8 : memref<128xi32, #tpu.memory_space<hbm>>) target(%arg5 : memref<128xi32, #tpu.memory_space<vmem>>) target_semaphore(%run_scoped3A : memref<!tpu.dma_semaphore, #tpu.memory_space<semaphore_mem>>)
      %dma_wait3A_9 = tpu.memref_slice %arg3[%mul3A_2] : memref<4096xi32, #tpu.memory_space<hbm>> -> memref<128xi32, #tpu.memory_space<hbm>>
      %dma_wait3A_10 = tpu.memref_slice %arg3[%mul3A_2] : memref<4096xi32, #tpu.memory_space<hbm>> -> memref<128xi32, #tpu.memory_space<hbm>>
      tpu.wait_dma2 semaphore(%run_scoped3A : memref<!tpu.dma_semaphore, #tpu.memory_space<semaphore_mem>>) src(%dma_wait3A_10 : memref<128xi32, #tpu.memory_space<hbm>>) dst(%arg5 : memref<128xi32, #tpu.memory_space<vmem>>)
      tpu.yield
    }) : () -> ()
    %dma_start3A = arith.constant 0 : i32
    %dma_start3A_3 = arith.constant 0 : i32
    %dma_start3A_4 = tpu.memref_slice %arg2[%dma_start3A, %dma_start3A_3] : memref<8064x256xf32, #tpu.memory_space<hbm>> -> memref<8064x256xf32, #tpu.memory_space<hbm>>
    tpu.enqueue_indirect_dma source(%dma_start3A_4 : memref<8064x256xf32, #tpu.memory_space<hbm>>) target(%arg6 : memref<128x256xf32, #tpu.memory_space<vmem>>) offsets(%arg5 : memref<128xi32, #tpu.memory_space<vmem>>) semaphore(%arg7 : memref<!tpu.dma_semaphore, #tpu.memory_space<semaphore_mem>>)
    %dma_wait3A = arith.constant 0 : i32
    %dma_wait3A_5 = arith.constant 0 : i32
    %dma_wait3A_6 = tpu.memref_slice %arg2[%dma_wait3A, %dma_wait3A_5] : memref<8064x256xf32, #tpu.memory_space<hbm>> -> memref<8064x256xf32, #tpu.memory_space<hbm>>
    tpu.wait_indirect_dma semaphore(%arg7 : memref<!tpu.dma_semaphore, #tpu.memory_space<semaphore_mem>>) src(%dma_wait3A_6 : memref<8064x256xf32, #tpu.memory_space<hbm>>) dst(%arg6 : memref<128x256xf32, #tpu.memory_space<vmem>>)
    "tpu.region"() ({
      %run_scoped3A = tpu.sem_alloc : memref<!tpu.dma_semaphore, #tpu.memory_space<semaphore_mem>>
      %dma_start3A_7 = arith.constant 0 : i32
      %dma_start3A_8 = tpu.memref_slice %arg4[%mul3A_2, %dma_start3A_7] : memref<4096x256xf32, #tpu.memory_space<hbm>> -> memref<128x256xf32, #tpu.memory_space<hbm>>
      %dma_start3A_9 = arith.constant 0 : i32
      %dma_start3A_10 = tpu.memref_slice %arg4[%mul3A_2, %dma_start3A_9] : memref<4096x256xf32, #tpu.memory_space<hbm>> -> memref<128x256xf32, #tpu.memory_space<hbm>>
      tpu.enqueue_dma source(%arg6 : memref<128x256xf32, #tpu.memory_space<vmem>>) target(%dma_start3A_10 : memref<128x256xf32, #tpu.memory_space<hbm>>) target_semaphore(%run_scoped3A : memref<!tpu.dma_semaphore, #tpu.memory_space<semaphore_mem>>)
      %dma_wait3A_11 = arith.constant 0 : i32
      %dma_wait3A_12 = tpu.memref_slice %arg4[%mul3A_2, %dma_wait3A_11] : memref<4096x256xf32, #tpu.memory_space<hbm>> -> memref<128x256xf32, #tpu.memory_space<hbm>>
      %dma_wait3A_13 = arith.constant 0 : i32
      %dma_wait3A_14 = tpu.memref_slice %arg4[%mul3A_2, %dma_wait3A_13] : memref<4096x256xf32, #tpu.memory_space<hbm>> -> memref<128x256xf32, #tpu.memory_space<hbm>>
      tpu.wait_dma2 semaphore(%run_scoped3A : memref<!tpu.dma_semaphore, #tpu.memory_space<semaphore_mem>>) src(%arg6 : memref<128x256xf32, #tpu.memory_space<vmem>>) dst(%dma_wait3A_14 : memref<128x256xf32, #tpu.memory_space<hbm>>)
      tpu.yield
    }) : () -> ()
    return
  }
}

module attributes {stable_mosaic.version = 14 : i64} {
  func.func @_route_body(%arg0: memref<2048x256xf32, #tpu.memory_space<vmem>>, %arg1: memref<32x256xf32, #tpu.memory_space<vmem>>, %arg2: memref<2048x32xf32, #tpu.memory_space<vmem>>, %arg3: memref<4096x1xi32, #tpu.memory_space<vmem>>, %arg4: memref<2048x1xf32, #tpu.memory_space<vmem>>, %arg5: memref<2048x1xf32, #tpu.memory_space<vmem>>, %arg6: memref<1x32xi32, #tpu.memory_space<vmem>>, %arg7: memref<1x32xi32, #tpu.memory_space<vmem>>) attributes {dimension_semantics = [], scalar_prefetch = 0 : i64, scratch_operands = 0 : i64, tpu.core_type = #tpu.core_type<tc>} {
    %get3A = arith.constant 0 : index
    %get3A_0 = arith.constant 0 : index
    %get3A_1 = vector.load %arg0[%get3A, %get3A_0] : memref<2048x256xf32, #tpu.memory_space<vmem>>, vector<2048x256xf32>
    %get3A_2 = arith.constant 0 : index
    %get3A_3 = arith.constant 0 : index
    %get3A_4 = vector.load %arg1[%get3A_2, %get3A_3] : memref<32x256xf32, #tpu.memory_space<vmem>>, vector<32x256xf32>
    %dot_general3A = arith.constant dense<0.000000e+00> : vector<2048x32xf32>
    %dot_general3A_5 = tpu.matmul %get3A_1, %get3A_4, %dot_general3A {dimension_numbers = #tpu.dot_dimension_numbers<[1], [1], [0], [0], [0, 0, 1, 0], [], []>, transpose_lhs_hint = false} : vector<2048x256xf32>, vector<32x256xf32>, vector<2048x32xf32> -> vector<2048x32xf32>
    %iota3A = tpu.iota {dimensions = array<i32: 1>} : vector<2048x32xi32>
    %reduce_max3A = arith.constant dense<0xFF800000> : vector<2048xf32>
    %reduce_max3A_6 = vector.multi_reduction <maximumf>, %dot_general3A_5, %reduce_max3A [1] : vector<2048x32xf32> to vector<2048xf32>
    %broadcast_in_dim3A = vector.shape_cast %reduce_max3A_6 : vector<2048xf32> to vector<2048x1xf32>
    %eq3A = vector.broadcast %broadcast_in_dim3A : vector<2048x1xf32> to vector<2048x32xf32>
    %eq3A_7 = arith.cmpf oeq, %dot_general3A_5, %eq3A : vector<2048x32xf32>
    %jit3A = arith.constant 32 : i32
    %broadcast_in_dim3A_8 = vector.broadcast %jit3A : i32 to vector<2048x32xi32>
    %select_n3A = arith.select %eq3A_7, %iota3A, %broadcast_in_dim3A_8 : vector<2048x32xi1>, vector<2048x32xi32>
    %reduce_min3A = arith.constant dense<2147483647> : vector<2048xi32>
    %reduce_min3A_9 = vector.multi_reduction <minsi>, %select_n3A, %reduce_min3A [1] : vector<2048x32xi32> to vector<2048xi32>
    %broadcast_in_dim3A_10 = vector.shape_cast %reduce_min3A_9 : vector<2048xi32> to vector<2048x1xi32>
    %eq3A_11 = vector.broadcast %broadcast_in_dim3A_10 : vector<2048x1xi32> to vector<2048x32xi32>
    %eq3A_12 = arith.cmpi eq, %iota3A, %eq3A_11 : vector<2048x32xi32>
    %jit3A_13 = arith.constant 0xFF800000 : f32
    %broadcast_in_dim3A_14 = vector.broadcast %jit3A_13 : f32 to vector<2048x32xf32>
    %select_n3A_15 = arith.select %eq3A_12, %broadcast_in_dim3A_14, %dot_general3A_5 : vector<2048x32xi1>, vector<2048x32xf32>
    %reduce_max3A_16 = arith.constant dense<0xFF800000> : vector<2048xf32>
    %reduce_max3A_17 = vector.multi_reduction <maximumf>, %select_n3A_15, %reduce_max3A_16 [1] : vector<2048x32xf32> to vector<2048xf32>
    %broadcast_in_dim3A_18 = vector.shape_cast %reduce_max3A_17 : vector<2048xf32> to vector<2048x1xf32>
    %eq3A_19 = vector.broadcast %broadcast_in_dim3A_18 : vector<2048x1xf32> to vector<2048x32xf32>
    %eq3A_20 = arith.cmpf oeq, %select_n3A_15, %eq3A_19 : vector<2048x32xf32>
    %jit3A_21 = arith.constant 32 : i32
    %broadcast_in_dim3A_22 = vector.broadcast %jit3A_21 : i32 to vector<2048x32xi32>
    %select_n3A_23 = arith.select %eq3A_20, %iota3A, %broadcast_in_dim3A_22 : vector<2048x32xi1>, vector<2048x32xi32>
    %reduce_min3A_24 = arith.constant dense<2147483647> : vector<2048xi32>
    %reduce_min3A_25 = vector.multi_reduction <minsi>, %select_n3A_23, %reduce_min3A_24 [1] : vector<2048x32xi32> to vector<2048xi32>
    %broadcast_in_dim3A_26 = vector.shape_cast %reduce_min3A_25 : vector<2048xi32> to vector<2048x1xi32>
    %sub3A = arith.subf %broadcast_in_dim3A_18, %broadcast_in_dim3A : vector<2048x1xf32>
    %exp3A = math.exp %sub3A : vector<2048x1xf32>
    %add3A = arith.constant 1.000000e+00 : f32
    %add3A_27 = vector.broadcast %add3A : f32 to vector<2048x1xf32>
    %add3A_28 = arith.addf %add3A_27, %exp3A : vector<2048x1xf32>
    %div3A = arith.constant 1.000000e+00 : f32
    %div3A_29 = vector.broadcast %div3A : f32 to vector<2048x1xf32>
    %div3A_30 = arith.divf %div3A_29, %add3A_28 : vector<2048x1xf32>
    %add3A_31 = arith.constant 1.000000e+00 : f32
    %add3A_32 = vector.broadcast %add3A_31 : f32 to vector<2048x1xf32>
    %add3A_33 = arith.addf %add3A_32, %exp3A : vector<2048x1xf32>
    %div3A_34 = arith.divf %exp3A, %add3A_33 : vector<2048x1xf32>
    %swap3A = arith.constant 0 : index
    %swap3A_35 = arith.constant 0 : index
    %swap3A_36 = vector.load %arg4[%swap3A, %swap3A_35] : memref<2048x1xf32, #tpu.memory_space<vmem>>, vector<2048x1xf32>
    tpu.vector_store %arg4[%swap3A, %swap3A_35], %div3A_30 {strides = array<i32>} : memref<2048x1xf32, #tpu.memory_space<vmem>>, vector<2048x1xf32>,
    %swap3A_37 = arith.constant 0 : index
    %swap3A_38 = arith.constant 0 : index
    %swap3A_39 = vector.load %arg5[%swap3A_37, %swap3A_38] : memref<2048x1xf32, #tpu.memory_space<vmem>>, vector<2048x1xf32>
    tpu.vector_store %arg5[%swap3A_37, %swap3A_38], %div3A_34 {strides = array<i32>} : memref<2048x1xf32, #tpu.memory_space<vmem>>, vector<2048x1xf32>,
    %eq3A_40 = vector.broadcast %broadcast_in_dim3A_10 : vector<2048x1xi32> to vector<2048x32xi32>
    %eq3A_41 = arith.cmpi eq, %iota3A, %eq3A_40 : vector<2048x32xi32>
    %jit3A_42 = arith.constant 0.000000e+00 : f32
    %broadcast_in_dim3A_43 = vector.shape_cast %div3A_30 : vector<2048x1xf32> to vector<2048x1xf32>
    %broadcast_in_dim3A_44 = vector.broadcast %broadcast_in_dim3A_43 : vector<2048x1xf32> to vector<2048x32xf32>
    %broadcast_in_dim3A_45 = vector.broadcast %jit3A_42 : f32 to vector<2048x32xf32>
    %select_n3A_46 = arith.select %eq3A_41, %broadcast_in_dim3A_44, %broadcast_in_dim3A_45 : vector<2048x32xi1>, vector<2048x32xf32>
    %eq3A_47 = vector.broadcast %broadcast_in_dim3A_26 : vector<2048x1xi32> to vector<2048x32xi32>
    %eq3A_48 = arith.cmpi eq, %iota3A, %eq3A_47 : vector<2048x32xi32>
    %jit3A_49 = arith.constant 0.000000e+00 : f32
    %broadcast_in_dim3A_50 = vector.shape_cast %div3A_34 : vector<2048x1xf32> to vector<2048x1xf32>
    %broadcast_in_dim3A_51 = vector.broadcast %broadcast_in_dim3A_50 : vector<2048x1xf32> to vector<2048x32xf32>
    %broadcast_in_dim3A_52 = vector.broadcast %jit3A_49 : f32 to vector<2048x32xf32>
    %select_n3A_53 = arith.select %eq3A_48, %broadcast_in_dim3A_51, %broadcast_in_dim3A_52 : vector<2048x32xi1>, vector<2048x32xf32>
    %add3A_54 = arith.addf %select_n3A_46, %select_n3A_53 : vector<2048x32xf32>
    %swap3A_55 = arith.constant 0 : index
    %swap3A_56 = arith.constant 0 : index
    %swap3A_57 = vector.load %arg2[%swap3A_55, %swap3A_56] : memref<2048x32xf32, #tpu.memory_space<vmem>>, vector<2048x32xf32>
    tpu.vector_store %arg2[%swap3A_55, %swap3A_56], %add3A_54 {strides = array<i32>} : memref<2048x32xf32, #tpu.memory_space<vmem>>, vector<2048x32xf32>,
    %eq3A_58 = vector.broadcast %broadcast_in_dim3A_10 : vector<2048x1xi32> to vector<2048x32xi32>
    %eq3A_59 = arith.cmpi eq, %iota3A, %eq3A_58 : vector<2048x32xi32>
    %convert_element_type3A = arith.extui %eq3A_59 : vector<2048x32xi1> to vector<2048x32xi32>
    %convert_element_type3A_60 = arith.sitofp %convert_element_type3A : vector<2048x32xi32> to vector<2048x32xf32>
    %eq3A_61 = vector.broadcast %broadcast_in_dim3A_26 : vector<2048x1xi32> to vector<2048x32xi32>
    %eq3A_62 = arith.cmpi eq, %iota3A, %eq3A_61 : vector<2048x32xi32>
    %convert_element_type3A_63 = arith.extui %eq3A_62 : vector<2048x32xi1> to vector<2048x32xi32>
    %convert_element_type3A_64 = arith.sitofp %convert_element_type3A_63 : vector<2048x32xi32> to vector<2048x32xf32>
    %reshape3A = vector.shape_cast %convert_element_type3A_60 : vector<2048x32xf32> to vector<16x128x32xf32>
    %reshape3A_65 = vector.shape_cast %convert_element_type3A_64 : vector<2048x32xf32> to vector<16x128x32xf32>
    %reduce_sum3A = arith.constant dense<0.000000e+00> : vector<16x32xf32>
    %reduce_sum3A_66 = vector.multi_reduction <add>, %reshape3A, %reduce_sum3A [1] : vector<16x128x32xf32> to vector<16x32xf32>
    %reduce_sum3A_67 = arith.constant dense<0.000000e+00> : vector<16x32xf32>
    %reduce_sum3A_68 = vector.multi_reduction <add>, %reshape3A_65, %reduce_sum3A_67 [1] : vector<16x128x32xf32> to vector<16x32xf32>
    %reduce_sum3A_69 = arith.constant dense<0.000000e+00> : vector<32xf32>
    %reduce_sum3A_70 = vector.multi_reduction <add>, %reduce_sum3A_66, %reduce_sum3A_69 [0] : vector<16x32xf32> to vector<32xf32>
    %broadcast_in_dim3A_71 = vector.shape_cast %reduce_sum3A_70 : vector<32xf32> to vector<1x32xf32>
    %reduce_sum3A_72 = arith.constant dense<0.000000e+00> : vector<32xf32>
    %reduce_sum3A_73 = vector.multi_reduction <add>, %reduce_sum3A_68, %reduce_sum3A_72 [0] : vector<16x32xf32> to vector<32xf32>
    %broadcast_in_dim3A_74 = vector.shape_cast %reduce_sum3A_73 : vector<32xf32> to vector<1x32xf32>
    %add3A_75 = arith.addf %broadcast_in_dim3A_71, %broadcast_in_dim3A_74 : vector<1x32xf32>
    %add3A_76 = arith.constant 1.270000e+02 : f32
    %add3A_77 = vector.broadcast %add3A_76 : f32 to vector<1x32xf32>
    %add3A_78 = arith.addf %add3A_75, %add3A_77 : vector<1x32xf32>
    %mul3A = arith.constant 7.812500e-03 : f32
    %mul3A_79 = vector.broadcast %mul3A : f32 to vector<1x32xf32>
    %mul3A_80 = arith.mulf %add3A_78, %mul3A_79 : vector<1x32xf32>
    %floor3A = math.floor %mul3A_80 : vector<1x32xf32>
    %iota3A_81 = tpu.iota {dimensions = array<i32: 0>} : vector<32x32xi32>
    %iota3A_82 = tpu.iota {dimensions = array<i32: 1>} : vector<32x32xi32>
    %lt3A = arith.cmpi slt, %iota3A_81, %iota3A_82 : vector<32x32xi32>
    %convert_element_type3A_83 = arith.extui %lt3A : vector<32x32xi1> to vector<32x32xi32>
    %convert_element_type3A_84 = arith.sitofp %convert_element_type3A_83 : vector<32x32xi32> to vector<32x32xf32>
    %dot_general3A_85 = arith.constant dense<0.000000e+00> : vector<1x32xf32>
    %dot_general3A_86 = tpu.matmul %floor3A, %convert_element_type3A_84, %dot_general3A_85 {dimension_numbers = #tpu.dot_dimension_numbers<[1], [0], [0], [1], [0, 0, 1, 1], [], []>, transpose_lhs_hint = false} : vector<1x32xf32>, vector<32x32xf32>, vector<1x32xf32> -> vector<1x32xf32>
    %mul3A_87 = arith.constant 1.280000e+02 : f32
    %mul3A_88 = vector.broadcast %mul3A_87 : f32 to vector<1x32xf32>
    %mul3A_89 = arith.mulf %dot_general3A_86, %mul3A_88 : vector<1x32xf32>
    %convert_element_type3A_90 = arith.fptosi %dot_general3A_86 : vector<1x32xf32> to vector<1x32xi32>
    %swap3A_91 = arith.constant 0 : index
    %swap3A_92 = arith.constant 0 : index
    %swap3A_93 = vector.load %arg6[%swap3A_91, %swap3A_92] : memref<1x32xi32, #tpu.memory_space<vmem>>, vector<1x32xi32>
    tpu.vector_store %arg6[%swap3A_91, %swap3A_92], %convert_element_type3A_90 {strides = array<i32>} : memref<1x32xi32, #tpu.memory_space<vmem>>, vector<1x32xi32>,
    %convert_element_type3A_94 = arith.fptosi %floor3A : vector<1x32xf32> to vector<1x32xi32>
    %swap3A_95 = arith.constant 0 : index
    %swap3A_96 = arith.constant 0 : index
    %swap3A_97 = vector.load %arg7[%swap3A_95, %swap3A_96] : memref<1x32xi32, #tpu.memory_space<vmem>>, vector<1x32xi32>
    tpu.vector_store %arg7[%swap3A_95, %swap3A_96], %convert_element_type3A_94 {strides = array<i32>} : memref<1x32xi32, #tpu.memory_space<vmem>>, vector<1x32xi32>,
    %iota3A_98 = tpu.iota {dimensions = array<i32: 0>} : vector<16x16xi32>
    %iota3A_99 = tpu.iota {dimensions = array<i32: 1>} : vector<16x16xi32>
    %lt3A_100 = arith.cmpi slt, %iota3A_99, %iota3A_98 : vector<16x16xi32>
    %convert_element_type3A_101 = arith.extui %lt3A_100 : vector<16x16xi1> to vector<16x16xi32>
    %convert_element_type3A_102 = arith.sitofp %convert_element_type3A_101 : vector<16x16xi32> to vector<16x16xf32>
    %dot_general3A_103 = arith.constant dense<0.000000e+00> : vector<16x32xf32>
    %dot_general3A_104 = tpu.matmul %convert_element_type3A_102, %reduce_sum3A_66, %dot_general3A_103 {dimension_numbers = #tpu.dot_dimension_numbers<[1], [0], [0], [1], [0, 0, 1, 1], [], []>, transpose_lhs_hint = false} : vector<16x16xf32>, vector<16x32xf32>, vector<16x32xf32> -> vector<16x32xf32>
    %dot_general3A_105 = arith.constant dense<0.000000e+00> : vector<16x32xf32>
    %dot_general3A_106 = tpu.matmul %convert_element_type3A_102, %reduce_sum3A_68, %dot_general3A_105 {dimension_numbers = #tpu.dot_dimension_numbers<[1], [0], [0], [1], [0, 0, 1, 1], [], []>, transpose_lhs_hint = false} : vector<16x16xf32>, vector<16x32xf32>, vector<16x32xf32> -> vector<16x32xf32>
    %add3A_107 = vector.broadcast %broadcast_in_dim3A_71 : vector<1x32xf32> to vector<16x32xf32>
    %add3A_108 = arith.addf %dot_general3A_106, %add3A_107 : vector<16x32xf32>
    %iota3A_109 = tpu.iota {dimensions = array<i32: 0>} : vector<128x128xi32>
    %iota3A_110 = tpu.iota {dimensions = array<i32: 1>} : vector<128x128xi32>
    %lt3A_111 = arith.cmpi slt, %iota3A_110, %iota3A_109 : vector<128x128xi32>
    %convert_element_type3A_112 = arith.extui %lt3A_111 : vector<128x128xi1> to vector<128x128xi32>
    %convert_element_type3A_113 = arith.sitofp %convert_element_type3A_112 : vector<128x128xi32> to vector<128x128xf32>
    %slice3A = vector.extract_strided_slice %reshape3A {offsets = [0, 0, 0], sizes = [1, 128, 32], strides = [1, 1, 1]} : vector<16x128x32xf32> to vector<1x128x32xf32>
    %squeeze3A = vector.shape_cast %slice3A : vector<1x128x32xf32> to vector<128x32xf32>
    %dot_general3A_114 = arith.constant dense<0.000000e+00> : vector<128x32xf32>
    %dot_general3A_115 = tpu.matmul %convert_element_type3A_113, %squeeze3A, %dot_general3A_114 {dimension_numbers = #tpu.dot_dimension_numbers<[1], [0], [0], [1], [0, 0, 1, 1], [], []>, transpose_lhs_hint = false} : vector<128x128xf32>, vector<128x32xf32>, vector<128x32xf32> -> vector<128x32xf32>
    %slice3A_116 = vector.extract_strided_slice %reshape3A_65 {offsets = [0, 0, 0], sizes = [1, 128, 32], strides = [1, 1, 1]} : vector<16x128x32xf32> to vector<1x128x32xf32>
    %squeeze3A_117 = vector.shape_cast %slice3A_116 : vector<1x128x32xf32> to vector<128x32xf32>
    %dot_general3A_118 = arith.constant dense<0.000000e+00> : vector<128x32xf32>
    %dot_general3A_119 = tpu.matmul %convert_element_type3A_113, %squeeze3A_117, %dot_general3A_118 {dimension_numbers = #tpu.dot_dimension_numbers<[1], [0], [0], [1], [0, 0, 1, 1], [], []>, transpose_lhs_hint = false} : vector<128x128xf32>, vector<128x32xf32>, vector<128x32xf32> -> vector<128x32xf32>
    %slice3A_120 = vector.extract_strided_slice %reshape3A {offsets = [0, 0, 0], sizes = [1, 128, 32], strides = [1, 1, 1]} : vector<16x128x32xf32> to vector<1x128x32xf32>
    %squeeze3A_121 = vector.shape_cast %slice3A_120 : vector<1x128x32xf32> to vector<128x32xf32>
    %slice3A_122 = vector.extract_strided_slice %dot_general3A_104 {offsets = [0, 0], sizes = [1, 32], strides = [1, 1]} : vector<16x32xf32> to vector<1x32xf32>
    %add3A_123 = vector.broadcast %slice3A_122 : vector<1x32xf32> to vector<128x32xf32>
    %add3A_124 = arith.addf %dot_general3A_115, %add3A_123 : vector<128x32xf32>
    %add3A_125 = vector.broadcast %mul3A_89 : vector<1x32xf32> to vector<128x32xf32>
    %add3A_126 = arith.addf %add3A_124, %add3A_125 : vector<128x32xf32>
    %mul3A_127 = arith.mulf %squeeze3A_121, %add3A_126 : vector<128x32xf32>
    %reduce_sum3A_128 = arith.constant dense<0.000000e+00> : vector<128xf32>
    %reduce_sum3A_129 = vector.multi_reduction <add>, %mul3A_127, %reduce_sum3A_128 [1] : vector<128x32xf32> to vector<128xf32>
    %broadcast_in_dim3A_130 = vector.shape_cast %reduce_sum3A_129 : vector<128xf32> to vector<128x1xf32>
    %slice3A_131 = vector.extract_strided_slice %reshape3A_65 {offsets = [0, 0, 0], sizes = [1, 128, 32], strides = [1, 1, 1]} : vector<16x128x32xf32> to vector<1x128x32xf32>
    %squeeze3A_132 = vector.shape_cast %slice3A_131 : vector<1x128x32xf32> to vector<128x32xf32>
    %slice3A_133 = vector.extract_strided_slice %add3A_108 {offsets = [0, 0], sizes = [1, 32], strides = [1, 1]} : vector<16x32xf32> to vector<1x32xf32>
    %add3A_134 = vector.broadcast %slice3A_133 : vector<1x32xf32> to vector<128x32xf32>
    %add3A_135 = arith.addf %dot_general3A_119, %add3A_134 : vector<128x32xf32>
    %add3A_136 = vector.broadcast %mul3A_89 : vector<1x32xf32> to vector<128x32xf32>
    %add3A_137 = arith.addf %add3A_135, %add3A_136 : vector<128x32xf32>
    %mul3A_138 = arith.mulf %squeeze3A_132, %add3A_137 : vector<128x32xf32>
    %reduce_sum3A_139 = arith.constant dense<0.000000e+00> : vector<128xf32>
    %reduce_sum3A_140 = vector.multi_reduction <add>, %mul3A_138, %reduce_sum3A_139 [1] : vector<128x32xf32> to vector<128xf32>
    %broadcast_in_dim3A_141 = vector.shape_cast %reduce_sum3A_140 : vector<128xf32> to vector<128x1xf32>
    %convert_element_type3A_142 = arith.fptosi %broadcast_in_dim3A_130 : vector<128x1xf32> to vector<128x1xi32>
    %swap3A_143 = arith.constant 0 : index
    %swap3A_144 = arith.constant 0 : index
    %swap3A_145 = vector.load %arg3[%swap3A_143, %swap3A_144] : memref<4096x1xi32, #tpu.memory_space<vmem>>, vector<128x1xi32>
    tpu.vector_store %arg3[%swap3A_143, %swap3A_144], %convert_element_type3A_142 {strides = array<i32>} : memref<4096x1xi32, #tpu.memory_space<vmem>>, vector<128x1xi32>,
    %convert_element_type3A_146 = arith.fptosi %broadcast_in_dim3A_141 : vector<128x1xf32> to vector<128x1xi32>
    %swap3A_147 = arith.constant 2048 : index
    %swap3A_148 = arith.constant 0 : index
    %swap3A_149 = vector.load %arg3[%swap3A_147, %swap3A_148] : memref<4096x1xi32, #tpu.memory_space<vmem>>, vector<128x1xi32>
    tpu.vector_store %arg3[%swap3A_147, %swap3A_148], %convert_element_type3A_146 {strides = array<i32>} : memref<4096x1xi32, #tpu.memory_space<vmem>>, vector<128x1xi32>,
    %slice3A_150 = vector.extract_strided_slice %reshape3A {offsets = [1, 0, 0], sizes = [1, 128, 32], strides = [1, 1, 1]} : vector<16x128x32xf32> to vector<1x128x32xf32>
    %squeeze3A_151 = vector.shape_cast %slice3A_150 : vector<1x128x32xf32> to vector<128x32xf32>
    %dot_general3A_152 = arith.constant dense<0.000000e+00> : vector<128x32xf32>
    %dot_general3A_153 = tpu.matmul %convert_element_type3A_113, %squeeze3A_151, %dot_general3A_152 {dimension_numbers = #tpu.dot_dimension_numbers<[1], [0], [0], [1], [0, 0, 1, 1], [], []>, transpose_lhs_hint = false} : vector<128x128xf32>, vector<128x32xf32>, vector<128x32xf32> -> vector<128x32xf32>
    %slice3A_154 = vector.extract_strided_slice %reshape3A_65 {offsets = [1, 0, 0], sizes = [1, 128, 32], strides = [1, 1, 1]} : vector<16x128x32xf32> to vector<1x128x32xf32>
    %squeeze3A_155 = vector.shape_cast %slice3A_154 : vector<1x128x32xf32> to vector<128x32xf32>
    %dot_general3A_156 = arith.constant dense<0.000000e+00> : vector<128x32xf32>
    %dot_general3A_157 = tpu.matmul %convert_element_type3A_113, %squeeze3A_155, %dot_general3A_156 {dimension_numbers = #tpu.dot_dimension_numbers<[1], [0], [0], [1], [0, 0, 1, 1], [], []>, transpose_lhs_hint = false} : vector<128x128xf32>, vector<128x32xf32>, vector<128x32xf32> -> vector<128x32xf32>
    %slice3A_158 = vector.extract_strided_slice %reshape3A {offsets = [1, 0, 0], sizes = [1, 128, 32], strides = [1, 1, 1]} : vector<16x128x32xf32> to vector<1x128x32xf32>
    %squeeze3A_159 = vector.shape_cast %slice3A_158 : vector<1x128x32xf32> to vector<128x32xf32>
    %slice3A_160 = vector.extract_strided_slice %dot_general3A_104 {offsets = [1, 0], sizes = [1, 32], strides = [1, 1]} : vector<16x32xf32> to vector<1x32xf32>
    %add3A_161 = vector.broadcast %slice3A_160 : vector<1x32xf32> to vector<128x32xf32>
    %add3A_162 = arith.addf %dot_general3A_153, %add3A_161 : vector<128x32xf32>
    %add3A_163 = vector.broadcast %mul3A_89 : vector<1x32xf32> to vector<128x32xf32>
    %add3A_164 = arith.addf %add3A_162, %add3A_163 : vector<128x32xf32>
    %mul3A_165 = arith.mulf %squeeze3A_159, %add3A_164 : vector<128x32xf32>
    %reduce_sum3A_166 = arith.constant dense<0.000000e+00> : vector<128xf32>
    %reduce_sum3A_167 = vector.multi_reduction <add>, %mul3A_165, %reduce_sum3A_166 [1] : vector<128x32xf32> to vector<128xf32>
    %broadcast_in_dim3A_168 = vector.shape_cast %reduce_sum3A_167 : vector<128xf32> to vector<128x1xf32>
    %slice3A_169 = vector.extract_strided_slice %reshape3A_65 {offsets = [1, 0, 0], sizes = [1, 128, 32], strides = [1, 1, 1]} : vector<16x128x32xf32> to vector<1x128x32xf32>
    %squeeze3A_170 = vector.shape_cast %slice3A_169 : vector<1x128x32xf32> to vector<128x32xf32>
    %slice3A_171 = vector.extract_strided_slice %add3A_108 {offsets = [1, 0], sizes = [1, 32], strides = [1, 1]} : vector<16x32xf32> to vector<1x32xf32>
    %add3A_172 = vector.broadcast %slice3A_171 : vector<1x32xf32> to vector<128x32xf32>
    %add3A_173 = arith.addf %dot_general3A_157, %add3A_172 : vector<128x32xf32>
    %add3A_174 = vector.broadcast %mul3A_89 : vector<1x32xf32> to vector<128x32xf32>
    %add3A_175 = arith.addf %add3A_173, %add3A_174 : vector<128x32xf32>
    %mul3A_176 = arith.mulf %squeeze3A_170, %add3A_175 : vector<128x32xf32>
    %reduce_sum3A_177 = arith.constant dense<0.000000e+00> : vector<128xf32>
    %reduce_sum3A_178 = vector.multi_reduction <add>, %mul3A_176, %reduce_sum3A_177 [1] : vector<128x32xf32> to vector<128xf32>
    %broadcast_in_dim3A_179 = vector.shape_cast %reduce_sum3A_178 : vector<128xf32> to vector<128x1xf32>
    %convert_element_type3A_180 = arith.fptosi %broadcast_in_dim3A_168 : vector<128x1xf32> to vector<128x1xi32>
    %swap3A_181 = arith.constant 128 : index
    %swap3A_182 = arith.constant 0 : index
    %swap3A_183 = vector.load %arg3[%swap3A_181, %swap3A_182] : memref<4096x1xi32, #tpu.memory_space<vmem>>, vector<128x1xi32>
    tpu.vector_store %arg3[%swap3A_181, %swap3A_182], %convert_element_type3A_180 {strides = array<i32>} : memref<4096x1xi32, #tpu.memory_space<vmem>>, vector<128x1xi32>,
    %convert_element_type3A_184 = arith.fptosi %broadcast_in_dim3A_179 : vector<128x1xf32> to vector<128x1xi32>
    %swap3A_185 = arith.constant 2176 : index
    %swap3A_186 = arith.constant 0 : index
    %swap3A_187 = vector.load %arg3[%swap3A_185, %swap3A_186] : memref<4096x1xi32, #tpu.memory_space<vmem>>, vector<128x1xi32>
    tpu.vector_store %arg3[%swap3A_185, %swap3A_186], %convert_element_type3A_184 {strides = array<i32>} : memref<4096x1xi32, #tpu.memory_space<vmem>>, vector<128x1xi32>,
    %slice3A_188 = vector.extract_strided_slice %reshape3A {offsets = [2, 0, 0], sizes = [1, 128, 32], strides = [1, 1, 1]} : vector<16x128x32xf32> to vector<1x128x32xf32>
    %squeeze3A_189 = vector.shape_cast %slice3A_188 : vector<1x128x32xf32> to vector<128x32xf32>
    %dot_general3A_190 = arith.constant dense<0.000000e+00> : vector<128x32xf32>
    %dot_general3A_191 = tpu.matmul %convert_element_type3A_113, %squeeze3A_189, %dot_general3A_190 {dimension_numbers = #tpu.dot_dimension_numbers<[1], [0], [0], [1], [0, 0, 1, 1], [], []>, transpose_lhs_hint = false} : vector<128x128xf32>, vector<128x32xf32>, vector<128x32xf32> -> vector<128x32xf32>
    %slice3A_192 = vector.extract_strided_slice %reshape3A_65 {offsets = [2, 0, 0], sizes = [1, 128, 32], strides = [1, 1, 1]} : vector<16x128x32xf32> to vector<1x128x32xf32>
    %squeeze3A_193 = vector.shape_cast %slice3A_192 : vector<1x128x32xf32> to vector<128x32xf32>
    %dot_general3A_194 = arith.constant dense<0.000000e+00> : vector<128x32xf32>
    %dot_general3A_195 = tpu.matmul %convert_element_type3A_113, %squeeze3A_193, %dot_general3A_194 {dimension_numbers = #tpu.dot_dimension_numbers<[1], [0], [0], [1], [0, 0, 1, 1], [], []>, transpose_lhs_hint = false} : vector<128x128xf32>, vector<128x32xf32>, vector<128x32xf32> -> vector<128x32xf32>
    %slice3A_196 = vector.extract_strided_slice %reshape3A {offsets = [2, 0, 0], sizes = [1, 128, 32], strides = [1, 1, 1]} : vector<16x128x32xf32> to vector<1x128x32xf32>
    %squeeze3A_197 = vector.shape_cast %slice3A_196 : vector<1x128x32xf32> to vector<128x32xf32>
    %slice3A_198 = vector.extract_strided_slice %dot_general3A_104 {offsets = [2, 0], sizes = [1, 32], strides = [1, 1]} : vector<16x32xf32> to vector<1x32xf32>
    %add3A_199 = vector.broadcast %slice3A_198 : vector<1x32xf32> to vector<128x32xf32>
    %add3A_200 = arith.addf %dot_general3A_191, %add3A_199 : vector<128x32xf32>
    %add3A_201 = vector.broadcast %mul3A_89 : vector<1x32xf32> to vector<128x32xf32>
    %add3A_202 = arith.addf %add3A_200, %add3A_201 : vector<128x32xf32>
    %mul3A_203 = arith.mulf %squeeze3A_197, %add3A_202 : vector<128x32xf32>
    %reduce_sum3A_204 = arith.constant dense<0.000000e+00> : vector<128xf32>
    %reduce_sum3A_205 = vector.multi_reduction <add>, %mul3A_203, %reduce_sum3A_204 [1] : vector<128x32xf32> to vector<128xf32>
    %broadcast_in_dim3A_206 = vector.shape_cast %reduce_sum3A_205 : vector<128xf32> to vector<128x1xf32>
    %slice3A_207 = vector.extract_strided_slice %reshape3A_65 {offsets = [2, 0, 0], sizes = [1, 128, 32], strides = [1, 1, 1]} : vector<16x128x32xf32> to vector<1x128x32xf32>
    %squeeze3A_208 = vector.shape_cast %slice3A_207 : vector<1x128x32xf32> to vector<128x32xf32>
    %slice3A_209 = vector.extract_strided_slice %add3A_108 {offsets = [2, 0], sizes = [1, 32], strides = [1, 1]} : vector<16x32xf32> to vector<1x32xf32>
    %add3A_210 = vector.broadcast %slice3A_209 : vector<1x32xf32> to vector<128x32xf32>
    %add3A_211 = arith.addf %dot_general3A_195, %add3A_210 : vector<128x32xf32>
    %add3A_212 = vector.broadcast %mul3A_89 : vector<1x32xf32> to vector<128x32xf32>
    %add3A_213 = arith.addf %add3A_211, %add3A_212 : vector<128x32xf32>
    %mul3A_214 = arith.mulf %squeeze3A_208, %add3A_213 : vector<128x32xf32>
    %reduce_sum3A_215 = arith.constant dense<0.000000e+00> : vector<128xf32>
    %reduce_sum3A_216 = vector.multi_reduction <add>, %mul3A_214, %reduce_sum3A_215 [1] : vector<128x32xf32> to vector<128xf32>
    %broadcast_in_dim3A_217 = vector.shape_cast %reduce_sum3A_216 : vector<128xf32> to vector<128x1xf32>
    %convert_element_type3A_218 = arith.fptosi %broadcast_in_dim3A_206 : vector<128x1xf32> to vector<128x1xi32>
    %swap3A_219 = arith.constant 256 : index
    %swap3A_220 = arith.constant 0 : index
    %swap3A_221 = vector.load %arg3[%swap3A_219, %swap3A_220] : memref<4096x1xi32, #tpu.memory_space<vmem>>, vector<128x1xi32>
    tpu.vector_store %arg3[%swap3A_219, %swap3A_220], %convert_element_type3A_218 {strides = array<i32>} : memref<4096x1xi32, #tpu.memory_space<vmem>>, vector<128x1xi32>,
    %convert_element_type3A_222 = arith.fptosi %broadcast_in_dim3A_217 : vector<128x1xf32> to vector<128x1xi32>
    %swap3A_223 = arith.constant 2304 : index
    %swap3A_224 = arith.constant 0 : index
    %swap3A_225 = vector.load %arg3[%swap3A_223, %swap3A_224] : memref<4096x1xi32, #tpu.memory_space<vmem>>, vector<128x1xi32>
    tpu.vector_store %arg3[%swap3A_223, %swap3A_224], %convert_element_type3A_222 {strides = array<i32>} : memref<4096x1xi32, #tpu.memory_space<vmem>>, vector<128x1xi32>,
    %slice3A_226 = vector.extract_strided_slice %reshape3A {offsets = [3, 0, 0], sizes = [1, 128, 32], strides = [1, 1, 1]} : vector<16x128x32xf32> to vector<1x128x32xf32>
    %squeeze3A_227 = vector.shape_cast %slice3A_226 : vector<1x128x32xf32> to vector<128x32xf32>
    %dot_general3A_228 = arith.constant dense<0.000000e+00> : vector<128x32xf32>
    %dot_general3A_229 = tpu.matmul %convert_element_type3A_113, %squeeze3A_227, %dot_general3A_228 {dimension_numbers = #tpu.dot_dimension_numbers<[1], [0], [0], [1], [0, 0, 1, 1], [], []>, transpose_lhs_hint = false} : vector<128x128xf32>, vector<128x32xf32>, vector<128x32xf32> -> vector<128x32xf32>
    %slice3A_230 = vector.extract_strided_slice %reshape3A_65 {offsets = [3, 0, 0], sizes = [1, 128, 32], strides = [1, 1, 1]} : vector<16x128x32xf32> to vector<1x128x32xf32>
    %squeeze3A_231 = vector.shape_cast %slice3A_230 : vector<1x128x32xf32> to vector<128x32xf32>
    %dot_general3A_232 = arith.constant dense<0.000000e+00> : vector<128x32xf32>
    %dot_general3A_233 = tpu.matmul %convert_element_type3A_113, %squeeze3A_231, %dot_general3A_232 {dimension_numbers = #tpu.dot_dimension_numbers<[1], [0], [0], [1], [0, 0, 1, 1], [], []>, transpose_lhs_hint = false} : vector<128x128xf32>, vector<128x32xf32>, vector<128x32xf32> -> vector<128x32xf32>
    %slice3A_234 = vector.extract_strided_slice %reshape3A {offsets = [3, 0, 0], sizes = [1, 128, 32], strides = [1, 1, 1]} : vector<16x128x32xf32> to vector<1x128x32xf32>
    %squeeze3A_235 = vector.shape_cast %slice3A_234 : vector<1x128x32xf32> to vector<128x32xf32>
    %slice3A_236 = vector.extract_strided_slice %dot_general3A_104 {offsets = [3, 0], sizes = [1, 32], strides = [1, 1]} : vector<16x32xf32> to vector<1x32xf32>
    %add3A_237 = vector.broadcast %slice3A_236 : vector<1x32xf32> to vector<128x32xf32>
    %add3A_238 = arith.addf %dot_general3A_229, %add3A_237 : vector<128x32xf32>
    %add3A_239 = vector.broadcast %mul3A_89 : vector<1x32xf32> to vector<128x32xf32>
    %add3A_240 = arith.addf %add3A_238, %add3A_239 : vector<128x32xf32>
    %mul3A_241 = arith.mulf %squeeze3A_235, %add3A_240 : vector<128x32xf32>
    %reduce_sum3A_242 = arith.constant dense<0.000000e+00> : vector<128xf32>
    %reduce_sum3A_243 = vector.multi_reduction <add>, %mul3A_241, %reduce_sum3A_242 [1] : vector<128x32xf32> to vector<128xf32>
    %broadcast_in_dim3A_244 = vector.shape_cast %reduce_sum3A_243 : vector<128xf32> to vector<128x1xf32>
    %slice3A_245 = vector.extract_strided_slice %reshape3A_65 {offsets = [3, 0, 0], sizes = [1, 128, 32], strides = [1, 1, 1]} : vector<16x128x32xf32> to vector<1x128x32xf32>
    %squeeze3A_246 = vector.shape_cast %slice3A_245 : vector<1x128x32xf32> to vector<128x32xf32>
    %slice3A_247 = vector.extract_strided_slice %add3A_108 {offsets = [3, 0], sizes = [1, 32], strides = [1, 1]} : vector<16x32xf32> to vector<1x32xf32>
    %add3A_248 = vector.broadcast %slice3A_247 : vector<1x32xf32> to vector<128x32xf32>
    %add3A_249 = arith.addf %dot_general3A_233, %add3A_248 : vector<128x32xf32>
    %add3A_250 = vector.broadcast %mul3A_89 : vector<1x32xf32> to vector<128x32xf32>
    %add3A_251 = arith.addf %add3A_249, %add3A_250 : vector<128x32xf32>
    %mul3A_252 = arith.mulf %squeeze3A_246, %add3A_251 : vector<128x32xf32>
    %reduce_sum3A_253 = arith.constant dense<0.000000e+00> : vector<128xf32>
    %reduce_sum3A_254 = vector.multi_reduction <add>, %mul3A_252, %reduce_sum3A_253 [1] : vector<128x32xf32> to vector<128xf32>
    %broadcast_in_dim3A_255 = vector.shape_cast %reduce_sum3A_254 : vector<128xf32> to vector<128x1xf32>
    %convert_element_type3A_256 = arith.fptosi %broadcast_in_dim3A_244 : vector<128x1xf32> to vector<128x1xi32>
    %swap3A_257 = arith.constant 384 : index
    %swap3A_258 = arith.constant 0 : index
    %swap3A_259 = vector.load %arg3[%swap3A_257, %swap3A_258] : memref<4096x1xi32, #tpu.memory_space<vmem>>, vector<128x1xi32>
    tpu.vector_store %arg3[%swap3A_257, %swap3A_258], %convert_element_type3A_256 {strides = array<i32>} : memref<4096x1xi32, #tpu.memory_space<vmem>>, vector<128x1xi32>,
    %convert_element_type3A_260 = arith.fptosi %broadcast_in_dim3A_255 : vector<128x1xf32> to vector<128x1xi32>
    %swap3A_261 = arith.constant 2432 : index
    %swap3A_262 = arith.constant 0 : index
    %swap3A_263 = vector.load %arg3[%swap3A_261, %swap3A_262] : memref<4096x1xi32, #tpu.memory_space<vmem>>, vector<128x1xi32>
    tpu.vector_store %arg3[%swap3A_261, %swap3A_262], %convert_element_type3A_260 {strides = array<i32>} : memref<4096x1xi32, #tpu.memory_space<vmem>>, vector<128x1xi32>,
    %slice3A_264 = vector.extract_strided_slice %reshape3A {offsets = [4, 0, 0], sizes = [1, 128, 32], strides = [1, 1, 1]} : vector<16x128x32xf32> to vector<1x128x32xf32>
    %squeeze3A_265 = vector.shape_cast %slice3A_264 : vector<1x128x32xf32> to vector<128x32xf32>
    %dot_general3A_266 = arith.constant dense<0.000000e+00> : vector<128x32xf32>
    %dot_general3A_267 = tpu.matmul %convert_element_type3A_113, %squeeze3A_265, %dot_general3A_266 {dimension_numbers = #tpu.dot_dimension_numbers<[1], [0], [0], [1], [0, 0, 1, 1], [], []>, transpose_lhs_hint = false} : vector<128x128xf32>, vector<128x32xf32>, vector<128x32xf32> -> vector<128x32xf32>
    %slice3A_268 = vector.extract_strided_slice %reshape3A_65 {offsets = [4, 0, 0], sizes = [1, 128, 32], strides = [1, 1, 1]} : vector<16x128x32xf32> to vector<1x128x32xf32>
    %squeeze3A_269 = vector.shape_cast %slice3A_268 : vector<1x128x32xf32> to vector<128x32xf32>
    %dot_general3A_270 = arith.constant dense<0.000000e+00> : vector<128x32xf32>
    %dot_general3A_271 = tpu.matmul %convert_element_type3A_113, %squeeze3A_269, %dot_general3A_270 {dimension_numbers = #tpu.dot_dimension_numbers<[1], [0], [0], [1], [0, 0, 1, 1], [], []>, transpose_lhs_hint = false} : vector<128x128xf32>, vector<128x32xf32>, vector<128x32xf32> -> vector<128x32xf32>
    %slice3A_272 = vector.extract_strided_slice %reshape3A {offsets = [4, 0, 0], sizes = [1, 128, 32], strides = [1, 1, 1]} : vector<16x128x32xf32> to vector<1x128x32xf32>
    %squeeze3A_273 = vector.shape_cast %slice3A_272 : vector<1x128x32xf32> to vector<128x32xf32>
    %slice3A_274 = vector.extract_strided_slice %dot_general3A_104 {offsets = [4, 0], sizes = [1, 32], strides = [1, 1]} : vector<16x32xf32> to vector<1x32xf32>
    %add3A_275 = vector.broadcast %slice3A_274 : vector<1x32xf32> to vector<128x32xf32>
    %add3A_276 = arith.addf %dot_general3A_267, %add3A_275 : vector<128x32xf32>
    %add3A_277 = vector.broadcast %mul3A_89 : vector<1x32xf32> to vector<128x32xf32>
    %add3A_278 = arith.addf %add3A_276, %add3A_277 : vector<128x32xf32>
    %mul3A_279 = arith.mulf %squeeze3A_273, %add3A_278 : vector<128x32xf32>
    %reduce_sum3A_280 = arith.constant dense<0.000000e+00> : vector<128xf32>
    %reduce_sum3A_281 = vector.multi_reduction <add>, %mul3A_279, %reduce_sum3A_280 [1] : vector<128x32xf32> to vector<128xf32>
    %broadcast_in_dim3A_282 = vector.shape_cast %reduce_sum3A_281 : vector<128xf32> to vector<128x1xf32>
    %slice3A_283 = vector.extract_strided_slice %reshape3A_65 {offsets = [4, 0, 0], sizes = [1, 128, 32], strides = [1, 1, 1]} : vector<16x128x32xf32> to vector<1x128x32xf32>
    %squeeze3A_284 = vector.shape_cast %slice3A_283 : vector<1x128x32xf32> to vector<128x32xf32>
    %slice3A_285 = vector.extract_strided_slice %add3A_108 {offsets = [4, 0], sizes = [1, 32], strides = [1, 1]} : vector<16x32xf32> to vector<1x32xf32>
    %add3A_286 = vector.broadcast %slice3A_285 : vector<1x32xf32> to vector<128x32xf32>
    %add3A_287 = arith.addf %dot_general3A_271, %add3A_286 : vector<128x32xf32>
    %add3A_288 = vector.broadcast %mul3A_89 : vector<1x32xf32> to vector<128x32xf32>
    %add3A_289 = arith.addf %add3A_287, %add3A_288 : vector<128x32xf32>
    %mul3A_290 = arith.mulf %squeeze3A_284, %add3A_289 : vector<128x32xf32>
    %reduce_sum3A_291 = arith.constant dense<0.000000e+00> : vector<128xf32>
    %reduce_sum3A_292 = vector.multi_reduction <add>, %mul3A_290, %reduce_sum3A_291 [1] : vector<128x32xf32> to vector<128xf32>
    %broadcast_in_dim3A_293 = vector.shape_cast %reduce_sum3A_292 : vector<128xf32> to vector<128x1xf32>
    %convert_element_type3A_294 = arith.fptosi %broadcast_in_dim3A_282 : vector<128x1xf32> to vector<128x1xi32>
    %swap3A_295 = arith.constant 512 : index
    %swap3A_296 = arith.constant 0 : index
    %swap3A_297 = vector.load %arg3[%swap3A_295, %swap3A_296] : memref<4096x1xi32, #tpu.memory_space<vmem>>, vector<128x1xi32>
    tpu.vector_store %arg3[%swap3A_295, %swap3A_296], %convert_element_type3A_294 {strides = array<i32>} : memref<4096x1xi32, #tpu.memory_space<vmem>>, vector<128x1xi32>,
    %convert_element_type3A_298 = arith.fptosi %broadcast_in_dim3A_293 : vector<128x1xf32> to vector<128x1xi32>
    %swap3A_299 = arith.constant 2560 : index
    %swap3A_300 = arith.constant 0 : index
    %swap3A_301 = vector.load %arg3[%swap3A_299, %swap3A_300] : memref<4096x1xi32, #tpu.memory_space<vmem>>, vector<128x1xi32>
    tpu.vector_store %arg3[%swap3A_299, %swap3A_300], %convert_element_type3A_298 {strides = array<i32>} : memref<4096x1xi32, #tpu.memory_space<vmem>>, vector<128x1xi32>,
    %slice3A_302 = vector.extract_strided_slice %reshape3A {offsets = [5, 0, 0], sizes = [1, 128, 32], strides = [1, 1, 1]} : vector<16x128x32xf32> to vector<1x128x32xf32>
    %squeeze3A_303 = vector.shape_cast %slice3A_302 : vector<1x128x32xf32> to vector<128x32xf32>
    %dot_general3A_304 = arith.constant dense<0.000000e+00> : vector<128x32xf32>
    %dot_general3A_305 = tpu.matmul %convert_element_type3A_113, %squeeze3A_303, %dot_general3A_304 {dimension_numbers = #tpu.dot_dimension_numbers<[1], [0], [0], [1], [0, 0, 1, 1], [], []>, transpose_lhs_hint = false} : vector<128x128xf32>, vector<128x32xf32>, vector<128x32xf32> -> vector<128x32xf32>
    %slice3A_306 = vector.extract_strided_slice %reshape3A_65 {offsets = [5, 0, 0], sizes = [1, 128, 32], strides = [1, 1, 1]} : vector<16x128x32xf32> to vector<1x128x32xf32>
    %squeeze3A_307 = vector.shape_cast %slice3A_306 : vector<1x128x32xf32> to vector<128x32xf32>
    %dot_general3A_308 = arith.constant dense<0.000000e+00> : vector<128x32xf32>
    %dot_general3A_309 = tpu.matmul %convert_element_type3A_113, %squeeze3A_307, %dot_general3A_308 {dimension_numbers = #tpu.dot_dimension_numbers<[1], [0], [0], [1], [0, 0, 1, 1], [], []>, transpose_lhs_hint = false} : vector<128x128xf32>, vector<128x32xf32>, vector<128x32xf32> -> vector<128x32xf32>
    %slice3A_310 = vector.extract_strided_slice %reshape3A {offsets = [5, 0, 0], sizes = [1, 128, 32], strides = [1, 1, 1]} : vector<16x128x32xf32> to vector<1x128x32xf32>
    %squeeze3A_311 = vector.shape_cast %slice3A_310 : vector<1x128x32xf32> to vector<128x32xf32>
    %slice3A_312 = vector.extract_strided_slice %dot_general3A_104 {offsets = [5, 0], sizes = [1, 32], strides = [1, 1]} : vector<16x32xf32> to vector<1x32xf32>
    %add3A_313 = vector.broadcast %slice3A_312 : vector<1x32xf32> to vector<128x32xf32>
    %add3A_314 = arith.addf %dot_general3A_305, %add3A_313 : vector<128x32xf32>
    %add3A_315 = vector.broadcast %mul3A_89 : vector<1x32xf32> to vector<128x32xf32>
    %add3A_316 = arith.addf %add3A_314, %add3A_315 : vector<128x32xf32>
    %mul3A_317 = arith.mulf %squeeze3A_311, %add3A_316 : vector<128x32xf32>
    %reduce_sum3A_318 = arith.constant dense<0.000000e+00> : vector<128xf32>
    %reduce_sum3A_319 = vector.multi_reduction <add>, %mul3A_317, %reduce_sum3A_318 [1] : vector<128x32xf32> to vector<128xf32>
    %broadcast_in_dim3A_320 = vector.shape_cast %reduce_sum3A_319 : vector<128xf32> to vector<128x1xf32>
    %slice3A_321 = vector.extract_strided_slice %reshape3A_65 {offsets = [5, 0, 0], sizes = [1, 128, 32], strides = [1, 1, 1]} : vector<16x128x32xf32> to vector<1x128x32xf32>
    %squeeze3A_322 = vector.shape_cast %slice3A_321 : vector<1x128x32xf32> to vector<128x32xf32>
    %slice3A_323 = vector.extract_strided_slice %add3A_108 {offsets = [5, 0], sizes = [1, 32], strides = [1, 1]} : vector<16x32xf32> to vector<1x32xf32>
    %add3A_324 = vector.broadcast %slice3A_323 : vector<1x32xf32> to vector<128x32xf32>
    %add3A_325 = arith.addf %dot_general3A_309, %add3A_324 : vector<128x32xf32>
    %add3A_326 = vector.broadcast %mul3A_89 : vector<1x32xf32> to vector<128x32xf32>
    %add3A_327 = arith.addf %add3A_325, %add3A_326 : vector<128x32xf32>
    %mul3A_328 = arith.mulf %squeeze3A_322, %add3A_327 : vector<128x32xf32>
    %reduce_sum3A_329 = arith.constant dense<0.000000e+00> : vector<128xf32>
    %reduce_sum3A_330 = vector.multi_reduction <add>, %mul3A_328, %reduce_sum3A_329 [1] : vector<128x32xf32> to vector<128xf32>
    %broadcast_in_dim3A_331 = vector.shape_cast %reduce_sum3A_330 : vector<128xf32> to vector<128x1xf32>
    %convert_element_type3A_332 = arith.fptosi %broadcast_in_dim3A_320 : vector<128x1xf32> to vector<128x1xi32>
    %swap3A_333 = arith.constant 640 : index
    %swap3A_334 = arith.constant 0 : index
    %swap3A_335 = vector.load %arg3[%swap3A_333, %swap3A_334] : memref<4096x1xi32, #tpu.memory_space<vmem>>, vector<128x1xi32>
    tpu.vector_store %arg3[%swap3A_333, %swap3A_334], %convert_element_type3A_332 {strides = array<i32>} : memref<4096x1xi32, #tpu.memory_space<vmem>>, vector<128x1xi32>,
    %convert_element_type3A_336 = arith.fptosi %broadcast_in_dim3A_331 : vector<128x1xf32> to vector<128x1xi32>
    %swap3A_337 = arith.constant 2688 : index
    %swap3A_338 = arith.constant 0 : index
    %swap3A_339 = vector.load %arg3[%swap3A_337, %swap3A_338] : memref<4096x1xi32, #tpu.memory_space<vmem>>, vector<128x1xi32>
    tpu.vector_store %arg3[%swap3A_337, %swap3A_338], %convert_element_type3A_336 {strides = array<i32>} : memref<4096x1xi32, #tpu.memory_space<vmem>>, vector<128x1xi32>,
    %slice3A_340 = vector.extract_strided_slice %reshape3A {offsets = [6, 0, 0], sizes = [1, 128, 32], strides = [1, 1, 1]} : vector<16x128x32xf32> to vector<1x128x32xf32>
    %squeeze3A_341 = vector.shape_cast %slice3A_340 : vector<1x128x32xf32> to vector<128x32xf32>
    %dot_general3A_342 = arith.constant dense<0.000000e+00> : vector<128x32xf32>
    %dot_general3A_343 = tpu.matmul %convert_element_type3A_113, %squeeze3A_341, %dot_general3A_342 {dimension_numbers = #tpu.dot_dimension_numbers<[1], [0], [0], [1], [0, 0, 1, 1], [], []>, transpose_lhs_hint = false} : vector<128x128xf32>, vector<128x32xf32>, vector<128x32xf32> -> vector<128x32xf32>
    %slice3A_344 = vector.extract_strided_slice %reshape3A_65 {offsets = [6, 0, 0], sizes = [1, 128, 32], strides = [1, 1, 1]} : vector<16x128x32xf32> to vector<1x128x32xf32>
    %squeeze3A_345 = vector.shape_cast %slice3A_344 : vector<1x128x32xf32> to vector<128x32xf32>
    %dot_general3A_346 = arith.constant dense<0.000000e+00> : vector<128x32xf32>
    %dot_general3A_347 = tpu.matmul %convert_element_type3A_113, %squeeze3A_345, %dot_general3A_346 {dimension_numbers = #tpu.dot_dimension_numbers<[1], [0], [0], [1], [0, 0, 1, 1], [], []>, transpose_lhs_hint = false} : vector<128x128xf32>, vector<128x32xf32>, vector<128x32xf32> -> vector<128x32xf32>
    %slice3A_348 = vector.extract_strided_slice %reshape3A {offsets = [6, 0, 0], sizes = [1, 128, 32], strides = [1, 1, 1]} : vector<16x128x32xf32> to vector<1x128x32xf32>
    %squeeze3A_349 = vector.shape_cast %slice3A_348 : vector<1x128x32xf32> to vector<128x32xf32>
    %slice3A_350 = vector.extract_strided_slice %dot_general3A_104 {offsets = [6, 0], sizes = [1, 32], strides = [1, 1]} : vector<16x32xf32> to vector<1x32xf32>
    %add3A_351 = vector.broadcast %slice3A_350 : vector<1x32xf32> to vector<128x32xf32>
    %add3A_352 = arith.addf %dot_general3A_343, %add3A_351 : vector<128x32xf32>
    %add3A_353 = vector.broadcast %mul3A_89 : vector<1x32xf32> to vector<128x32xf32>
    %add3A_354 = arith.addf %add3A_352, %add3A_353 : vector<128x32xf32>
    %mul3A_355 = arith.mulf %squeeze3A_349, %add3A_354 : vector<128x32xf32>
    %reduce_sum3A_356 = arith.constant dense<0.000000e+00> : vector<128xf32>
    %reduce_sum3A_357 = vector.multi_reduction <add>, %mul3A_355, %reduce_sum3A_356 [1] : vector<128x32xf32> to vector<128xf32>
    %broadcast_in_dim3A_358 = vector.shape_cast %reduce_sum3A_357 : vector<128xf32> to vector<128x1xf32>
    %slice3A_359 = vector.extract_strided_slice %reshape3A_65 {offsets = [6, 0, 0], sizes = [1, 128, 32], strides = [1, 1, 1]} : vector<16x128x32xf32> to vector<1x128x32xf32>
    %squeeze3A_360 = vector.shape_cast %slice3A_359 : vector<1x128x32xf32> to vector<128x32xf32>
    %slice3A_361 = vector.extract_strided_slice %add3A_108 {offsets = [6, 0], sizes = [1, 32], strides = [1, 1]} : vector<16x32xf32> to vector<1x32xf32>
    %add3A_362 = vector.broadcast %slice3A_361 : vector<1x32xf32> to vector<128x32xf32>
    %add3A_363 = arith.addf %dot_general3A_347, %add3A_362 : vector<128x32xf32>
    %add3A_364 = vector.broadcast %mul3A_89 : vector<1x32xf32> to vector<128x32xf32>
    %add3A_365 = arith.addf %add3A_363, %add3A_364 : vector<128x32xf32>
    %mul3A_366 = arith.mulf %squeeze3A_360, %add3A_365 : vector<128x32xf32>
    %reduce_sum3A_367 = arith.constant dense<0.000000e+00> : vector<128xf32>
    %reduce_sum3A_368 = vector.multi_reduction <add>, %mul3A_366, %reduce_sum3A_367 [1] : vector<128x32xf32> to vector<128xf32>
    %broadcast_in_dim3A_369 = vector.shape_cast %reduce_sum3A_368 : vector<128xf32> to vector<128x1xf32>
    %convert_element_type3A_370 = arith.fptosi %broadcast_in_dim3A_358 : vector<128x1xf32> to vector<128x1xi32>
    %swap3A_371 = arith.constant 768 : index
    %swap3A_372 = arith.constant 0 : index
    %swap3A_373 = vector.load %arg3[%swap3A_371, %swap3A_372] : memref<4096x1xi32, #tpu.memory_space<vmem>>, vector<128x1xi32>
    tpu.vector_store %arg3[%swap3A_371, %swap3A_372], %convert_element_type3A_370 {strides = array<i32>} : memref<4096x1xi32, #tpu.memory_space<vmem>>, vector<128x1xi32>,
    %convert_element_type3A_374 = arith.fptosi %broadcast_in_dim3A_369 : vector<128x1xf32> to vector<128x1xi32>
    %swap3A_375 = arith.constant 2816 : index
    %swap3A_376 = arith.constant 0 : index
    %swap3A_377 = vector.load %arg3[%swap3A_375, %swap3A_376] : memref<4096x1xi32, #tpu.memory_space<vmem>>, vector<128x1xi32>
    tpu.vector_store %arg3[%swap3A_375, %swap3A_376], %convert_element_type3A_374 {strides = array<i32>} : memref<4096x1xi32, #tpu.memory_space<vmem>>, vector<128x1xi32>,
    %slice3A_378 = vector.extract_strided_slice %reshape3A {offsets = [7, 0, 0], sizes = [1, 128, 32], strides = [1, 1, 1]} : vector<16x128x32xf32> to vector<1x128x32xf32>
    %squeeze3A_379 = vector.shape_cast %slice3A_378 : vector<1x128x32xf32> to vector<128x32xf32>
    %dot_general3A_380 = arith.constant dense<0.000000e+00> : vector<128x32xf32>
    %dot_general3A_381 = tpu.matmul %convert_element_type3A_113, %squeeze3A_379, %dot_general3A_380 {dimension_numbers = #tpu.dot_dimension_numbers<[1], [0], [0], [1], [0, 0, 1, 1], [], []>, transpose_lhs_hint = false} : vector<128x128xf32>, vector<128x32xf32>, vector<128x32xf32> -> vector<128x32xf32>
    %slice3A_382 = vector.extract_strided_slice %reshape3A_65 {offsets = [7, 0, 0], sizes = [1, 128, 32], strides = [1, 1, 1]} : vector<16x128x32xf32> to vector<1x128x32xf32>
    %squeeze3A_383 = vector.shape_cast %slice3A_382 : vector<1x128x32xf32> to vector<128x32xf32>
    %dot_general3A_384 = arith.constant dense<0.000000e+00> : vector<128x32xf32>
    %dot_general3A_385 = tpu.matmul %convert_element_type3A_113, %squeeze3A_383, %dot_general3A_384 {dimension_numbers = #tpu.dot_dimension_numbers<[1], [0], [0], [1], [0, 0, 1, 1], [], []>, transpose_lhs_hint = false} : vector<128x128xf32>, vector<128x32xf32>, vector<128x32xf32> -> vector<128x32xf32>
    %slice3A_386 = vector.extract_strided_slice %reshape3A {offsets = [7, 0, 0], sizes = [1, 128, 32], strides = [1, 1, 1]} : vector<16x128x32xf32> to vector<1x128x32xf32>
    %squeeze3A_387 = vector.shape_cast %slice3A_386 : vector<1x128x32xf32> to vector<128x32xf32>
    %slice3A_388 = vector.extract_strided_slice %dot_general3A_104 {offsets = [7, 0], sizes = [1, 32], strides = [1, 1]} : vector<16x32xf32> to vector<1x32xf32>
    %add3A_389 = vector.broadcast %slice3A_388 : vector<1x32xf32> to vector<128x32xf32>
    %add3A_390 = arith.addf %dot_general3A_381, %add3A_389 : vector<128x32xf32>
    %add3A_391 = vector.broadcast %mul3A_89 : vector<1x32xf32> to vector<128x32xf32>
    %add3A_392 = arith.addf %add3A_390, %add3A_391 : vector<128x32xf32>
    %mul3A_393 = arith.mulf %squeeze3A_387, %add3A_392 : vector<128x32xf32>
    %reduce_sum3A_394 = arith.constant dense<0.000000e+00> : vector<128xf32>
    %reduce_sum3A_395 = vector.multi_reduction <add>, %mul3A_393, %reduce_sum3A_394 [1] : vector<128x32xf32> to vector<128xf32>
    %broadcast_in_dim3A_396 = vector.shape_cast %reduce_sum3A_395 : vector<128xf32> to vector<128x1xf32>
    %slice3A_397 = vector.extract_strided_slice %reshape3A_65 {offsets = [7, 0, 0], sizes = [1, 128, 32], strides = [1, 1, 1]} : vector<16x128x32xf32> to vector<1x128x32xf32>
    %squeeze3A_398 = vector.shape_cast %slice3A_397 : vector<1x128x32xf32> to vector<128x32xf32>
    %slice3A_399 = vector.extract_strided_slice %add3A_108 {offsets = [7, 0], sizes = [1, 32], strides = [1, 1]} : vector<16x32xf32> to vector<1x32xf32>
    %add3A_400 = vector.broadcast %slice3A_399 : vector<1x32xf32> to vector<128x32xf32>
    %add3A_401 = arith.addf %dot_general3A_385, %add3A_400 : vector<128x32xf32>
    %add3A_402 = vector.broadcast %mul3A_89 : vector<1x32xf32> to vector<128x32xf32>
    %add3A_403 = arith.addf %add3A_401, %add3A_402 : vector<128x32xf32>
    %mul3A_404 = arith.mulf %squeeze3A_398, %add3A_403 : vector<128x32xf32>
    %reduce_sum3A_405 = arith.constant dense<0.000000e+00> : vector<128xf32>
    %reduce_sum3A_406 = vector.multi_reduction <add>, %mul3A_404, %reduce_sum3A_405 [1] : vector<128x32xf32> to vector<128xf32>
    %broadcast_in_dim3A_407 = vector.shape_cast %reduce_sum3A_406 : vector<128xf32> to vector<128x1xf32>
    %convert_element_type3A_408 = arith.fptosi %broadcast_in_dim3A_396 : vector<128x1xf32> to vector<128x1xi32>
    %swap3A_409 = arith.constant 896 : index
    %swap3A_410 = arith.constant 0 : index
    %swap3A_411 = vector.load %arg3[%swap3A_409, %swap3A_410] : memref<4096x1xi32, #tpu.memory_space<vmem>>, vector<128x1xi32>
    tpu.vector_store %arg3[%swap3A_409, %swap3A_410], %convert_element_type3A_408 {strides = array<i32>} : memref<4096x1xi32, #tpu.memory_space<vmem>>, vector<128x1xi32>,
    %convert_element_type3A_412 = arith.fptosi %broadcast_in_dim3A_407 : vector<128x1xf32> to vector<128x1xi32>
    %swap3A_413 = arith.constant 2944 : index
    %swap3A_414 = arith.constant 0 : index
    %swap3A_415 = vector.load %arg3[%swap3A_413, %swap3A_414] : memref<4096x1xi32, #tpu.memory_space<vmem>>, vector<128x1xi32>
    tpu.vector_store %arg3[%swap3A_413, %swap3A_414], %convert_element_type3A_412 {strides = array<i32>} : memref<4096x1xi32, #tpu.memory_space<vmem>>, vector<128x1xi32>,
    %slice3A_416 = vector.extract_strided_slice %reshape3A {offsets = [8, 0, 0], sizes = [1, 128, 32], strides = [1, 1, 1]} : vector<16x128x32xf32> to vector<1x128x32xf32>
    %squeeze3A_417 = vector.shape_cast %slice3A_416 : vector<1x128x32xf32> to vector<128x32xf32>
    %dot_general3A_418 = arith.constant dense<0.000000e+00> : vector<128x32xf32>
    %dot_general3A_419 = tpu.matmul %convert_element_type3A_113, %squeeze3A_417, %dot_general3A_418 {dimension_numbers = #tpu.dot_dimension_numbers<[1], [0], [0], [1], [0, 0, 1, 1], [], []>, transpose_lhs_hint = false} : vector<128x128xf32>, vector<128x32xf32>, vector<128x32xf32> -> vector<128x32xf32>
    %slice3A_420 = vector.extract_strided_slice %reshape3A_65 {offsets = [8, 0, 0], sizes = [1, 128, 32], strides = [1, 1, 1]} : vector<16x128x32xf32> to vector<1x128x32xf32>
    %squeeze3A_421 = vector.shape_cast %slice3A_420 : vector<1x128x32xf32> to vector<128x32xf32>
    %dot_general3A_422 = arith.constant dense<0.000000e+00> : vector<128x32xf32>
    %dot_general3A_423 = tpu.matmul %convert_element_type3A_113, %squeeze3A_421, %dot_general3A_422 {dimension_numbers = #tpu.dot_dimension_numbers<[1], [0], [0], [1], [0, 0, 1, 1], [], []>, transpose_lhs_hint = false} : vector<128x128xf32>, vector<128x32xf32>, vector<128x32xf32> -> vector<128x32xf32>
    %slice3A_424 = vector.extract_strided_slice %reshape3A {offsets = [8, 0, 0], sizes = [1, 128, 32], strides = [1, 1, 1]} : vector<16x128x32xf32> to vector<1x128x32xf32>
    %squeeze3A_425 = vector.shape_cast %slice3A_424 : vector<1x128x32xf32> to vector<128x32xf32>
    %slice3A_426 = vector.extract_strided_slice %dot_general3A_104 {offsets = [8, 0], sizes = [1, 32], strides = [1, 1]} : vector<16x32xf32> to vector<1x32xf32>
    %add3A_427 = vector.broadcast %slice3A_426 : vector<1x32xf32> to vector<128x32xf32>
    %add3A_428 = arith.addf %dot_general3A_419, %add3A_427 : vector<128x32xf32>
    %add3A_429 = vector.broadcast %mul3A_89 : vector<1x32xf32> to vector<128x32xf32>
    %add3A_430 = arith.addf %add3A_428, %add3A_429 : vector<128x32xf32>
    %mul3A_431 = arith.mulf %squeeze3A_425, %add3A_430 : vector<128x32xf32>
    %reduce_sum3A_432 = arith.constant dense<0.000000e+00> : vector<128xf32>
    %reduce_sum3A_433 = vector.multi_reduction <add>, %mul3A_431, %reduce_sum3A_432 [1] : vector<128x32xf32> to vector<128xf32>
    %broadcast_in_dim3A_434 = vector.shape_cast %reduce_sum3A_433 : vector<128xf32> to vector<128x1xf32>
    %slice3A_435 = vector.extract_strided_slice %reshape3A_65 {offsets = [8, 0, 0], sizes = [1, 128, 32], strides = [1, 1, 1]} : vector<16x128x32xf32> to vector<1x128x32xf32>
    %squeeze3A_436 = vector.shape_cast %slice3A_435 : vector<1x128x32xf32> to vector<128x32xf32>
    %slice3A_437 = vector.extract_strided_slice %add3A_108 {offsets = [8, 0], sizes = [1, 32], strides = [1, 1]} : vector<16x32xf32> to vector<1x32xf32>
    %add3A_438 = vector.broadcast %slice3A_437 : vector<1x32xf32> to vector<128x32xf32>
    %add3A_439 = arith.addf %dot_general3A_423, %add3A_438 : vector<128x32xf32>
    %add3A_440 = vector.broadcast %mul3A_89 : vector<1x32xf32> to vector<128x32xf32>
    %add3A_441 = arith.addf %add3A_439, %add3A_440 : vector<128x32xf32>
    %mul3A_442 = arith.mulf %squeeze3A_436, %add3A_441 : vector<128x32xf32>
    %reduce_sum3A_443 = arith.constant dense<0.000000e+00> : vector<128xf32>
    %reduce_sum3A_444 = vector.multi_reduction <add>, %mul3A_442, %reduce_sum3A_443 [1] : vector<128x32xf32> to vector<128xf32>
    %broadcast_in_dim3A_445 = vector.shape_cast %reduce_sum3A_444 : vector<128xf32> to vector<128x1xf32>
    %convert_element_type3A_446 = arith.fptosi %broadcast_in_dim3A_434 : vector<128x1xf32> to vector<128x1xi32>
    %swap3A_447 = arith.constant 1024 : index
    %swap3A_448 = arith.constant 0 : index
    %swap3A_449 = vector.load %arg3[%swap3A_447, %swap3A_448] : memref<4096x1xi32, #tpu.memory_space<vmem>>, vector<128x1xi32>
    tpu.vector_store %arg3[%swap3A_447, %swap3A_448], %convert_element_type3A_446 {strides = array<i32>} : memref<4096x1xi32, #tpu.memory_space<vmem>>, vector<128x1xi32>,
    %convert_element_type3A_450 = arith.fptosi %broadcast_in_dim3A_445 : vector<128x1xf32> to vector<128x1xi32>
    %swap3A_451 = arith.constant 3072 : index
    %swap3A_452 = arith.constant 0 : index
    %swap3A_453 = vector.load %arg3[%swap3A_451, %swap3A_452] : memref<4096x1xi32, #tpu.memory_space<vmem>>, vector<128x1xi32>
    tpu.vector_store %arg3[%swap3A_451, %swap3A_452], %convert_element_type3A_450 {strides = array<i32>} : memref<4096x1xi32, #tpu.memory_space<vmem>>, vector<128x1xi32>,
    %slice3A_454 = vector.extract_strided_slice %reshape3A {offsets = [9, 0, 0], sizes = [1, 128, 32], strides = [1, 1, 1]} : vector<16x128x32xf32> to vector<1x128x32xf32>
    %squeeze3A_455 = vector.shape_cast %slice3A_454 : vector<1x128x32xf32> to vector<128x32xf32>
    %dot_general3A_456 = arith.constant dense<0.000000e+00> : vector<128x32xf32>
    %dot_general3A_457 = tpu.matmul %convert_element_type3A_113, %squeeze3A_455, %dot_general3A_456 {dimension_numbers = #tpu.dot_dimension_numbers<[1], [0], [0], [1], [0, 0, 1, 1], [], []>, transpose_lhs_hint = false} : vector<128x128xf32>, vector<128x32xf32>, vector<128x32xf32> -> vector<128x32xf32>
    %slice3A_458 = vector.extract_strided_slice %reshape3A_65 {offsets = [9, 0, 0], sizes = [1, 128, 32], strides = [1, 1, 1]} : vector<16x128x32xf32> to vector<1x128x32xf32>
    %squeeze3A_459 = vector.shape_cast %slice3A_458 : vector<1x128x32xf32> to vector<128x32xf32>
    %dot_general3A_460 = arith.constant dense<0.000000e+00> : vector<128x32xf32>
    %dot_general3A_461 = tpu.matmul %convert_element_type3A_113, %squeeze3A_459, %dot_general3A_460 {dimension_numbers = #tpu.dot_dimension_numbers<[1], [0], [0], [1], [0, 0, 1, 1], [], []>, transpose_lhs_hint = false} : vector<128x128xf32>, vector<128x32xf32>, vector<128x32xf32> -> vector<128x32xf32>
    %slice3A_462 = vector.extract_strided_slice %reshape3A {offsets = [9, 0, 0], sizes = [1, 128, 32], strides = [1, 1, 1]} : vector<16x128x32xf32> to vector<1x128x32xf32>
    %squeeze3A_463 = vector.shape_cast %slice3A_462 : vector<1x128x32xf32> to vector<128x32xf32>
    %slice3A_464 = vector.extract_strided_slice %dot_general3A_104 {offsets = [9, 0], sizes = [1, 32], strides = [1, 1]} : vector<16x32xf32> to vector<1x32xf32>
    %add3A_465 = vector.broadcast %slice3A_464 : vector<1x32xf32> to vector<128x32xf32>
    %add3A_466 = arith.addf %dot_general3A_457, %add3A_465 : vector<128x32xf32>
    %add3A_467 = vector.broadcast %mul3A_89 : vector<1x32xf32> to vector<128x32xf32>
    %add3A_468 = arith.addf %add3A_466, %add3A_467 : vector<128x32xf32>
    %mul3A_469 = arith.mulf %squeeze3A_463, %add3A_468 : vector<128x32xf32>
    %reduce_sum3A_470 = arith.constant dense<0.000000e+00> : vector<128xf32>
    %reduce_sum3A_471 = vector.multi_reduction <add>, %mul3A_469, %reduce_sum3A_470 [1] : vector<128x32xf32> to vector<128xf32>
    %broadcast_in_dim3A_472 = vector.shape_cast %reduce_sum3A_471 : vector<128xf32> to vector<128x1xf32>
    %slice3A_473 = vector.extract_strided_slice %reshape3A_65 {offsets = [9, 0, 0], sizes = [1, 128, 32], strides = [1, 1, 1]} : vector<16x128x32xf32> to vector<1x128x32xf32>
    %squeeze3A_474 = vector.shape_cast %slice3A_473 : vector<1x128x32xf32> to vector<128x32xf32>
    %slice3A_475 = vector.extract_strided_slice %add3A_108 {offsets = [9, 0], sizes = [1, 32], strides = [1, 1]} : vector<16x32xf32> to vector<1x32xf32>
    %add3A_476 = vector.broadcast %slice3A_475 : vector<1x32xf32> to vector<128x32xf32>
    %add3A_477 = arith.addf %dot_general3A_461, %add3A_476 : vector<128x32xf32>
    %add3A_478 = vector.broadcast %mul3A_89 : vector<1x32xf32> to vector<128x32xf32>
    %add3A_479 = arith.addf %add3A_477, %add3A_478 : vector<128x32xf32>
    %mul3A_480 = arith.mulf %squeeze3A_474, %add3A_479 : vector<128x32xf32>
    %reduce_sum3A_481 = arith.constant dense<0.000000e+00> : vector<128xf32>
    %reduce_sum3A_482 = vector.multi_reduction <add>, %mul3A_480, %reduce_sum3A_481 [1] : vector<128x32xf32> to vector<128xf32>
    %broadcast_in_dim3A_483 = vector.shape_cast %reduce_sum3A_482 : vector<128xf32> to vector<128x1xf32>
    %convert_element_type3A_484 = arith.fptosi %broadcast_in_dim3A_472 : vector<128x1xf32> to vector<128x1xi32>
    %swap3A_485 = arith.constant 1152 : index
    %swap3A_486 = arith.constant 0 : index
    %swap3A_487 = vector.load %arg3[%swap3A_485, %swap3A_486] : memref<4096x1xi32, #tpu.memory_space<vmem>>, vector<128x1xi32>
    tpu.vector_store %arg3[%swap3A_485, %swap3A_486], %convert_element_type3A_484 {strides = array<i32>} : memref<4096x1xi32, #tpu.memory_space<vmem>>, vector<128x1xi32>,
    %convert_element_type3A_488 = arith.fptosi %broadcast_in_dim3A_483 : vector<128x1xf32> to vector<128x1xi32>
    %swap3A_489 = arith.constant 3200 : index
    %swap3A_490 = arith.constant 0 : index
    %swap3A_491 = vector.load %arg3[%swap3A_489, %swap3A_490] : memref<4096x1xi32, #tpu.memory_space<vmem>>, vector<128x1xi32>
    tpu.vector_store %arg3[%swap3A_489, %swap3A_490], %convert_element_type3A_488 {strides = array<i32>} : memref<4096x1xi32, #tpu.memory_space<vmem>>, vector<128x1xi32>,
    %slice3A_492 = vector.extract_strided_slice %reshape3A {offsets = [10, 0, 0], sizes = [1, 128, 32], strides = [1, 1, 1]} : vector<16x128x32xf32> to vector<1x128x32xf32>
    %squeeze3A_493 = vector.shape_cast %slice3A_492 : vector<1x128x32xf32> to vector<128x32xf32>
    %dot_general3A_494 = arith.constant dense<0.000000e+00> : vector<128x32xf32>
    %dot_general3A_495 = tpu.matmul %convert_element_type3A_113, %squeeze3A_493, %dot_general3A_494 {dimension_numbers = #tpu.dot_dimension_numbers<[1], [0], [0], [1], [0, 0, 1, 1], [], []>, transpose_lhs_hint = false} : vector<128x128xf32>, vector<128x32xf32>, vector<128x32xf32> -> vector<128x32xf32>
    %slice3A_496 = vector.extract_strided_slice %reshape3A_65 {offsets = [10, 0, 0], sizes = [1, 128, 32], strides = [1, 1, 1]} : vector<16x128x32xf32> to vector<1x128x32xf32>
    %squeeze3A_497 = vector.shape_cast %slice3A_496 : vector<1x128x32xf32> to vector<128x32xf32>
    %dot_general3A_498 = arith.constant dense<0.000000e+00> : vector<128x32xf32>
    %dot_general3A_499 = tpu.matmul %convert_element_type3A_113, %squeeze3A_497, %dot_general3A_498 {dimension_numbers = #tpu.dot_dimension_numbers<[1], [0], [0], [1], [0, 0, 1, 1], [], []>, transpose_lhs_hint = false} : vector<128x128xf32>, vector<128x32xf32>, vector<128x32xf32> -> vector<128x32xf32>
    %slice3A_500 = vector.extract_strided_slice %reshape3A {offsets = [10, 0, 0], sizes = [1, 128, 32], strides = [1, 1, 1]} : vector<16x128x32xf32> to vector<1x128x32xf32>
    %squeeze3A_501 = vector.shape_cast %slice3A_500 : vector<1x128x32xf32> to vector<128x32xf32>
    %slice3A_502 = vector.extract_strided_slice %dot_general3A_104 {offsets = [10, 0], sizes = [1, 32], strides = [1, 1]} : vector<16x32xf32> to vector<1x32xf32>
    %add3A_503 = vector.broadcast %slice3A_502 : vector<1x32xf32> to vector<128x32xf32>
    %add3A_504 = arith.addf %dot_general3A_495, %add3A_503 : vector<128x32xf32>
    %add3A_505 = vector.broadcast %mul3A_89 : vector<1x32xf32> to vector<128x32xf32>
    %add3A_506 = arith.addf %add3A_504, %add3A_505 : vector<128x32xf32>
    %mul3A_507 = arith.mulf %squeeze3A_501, %add3A_506 : vector<128x32xf32>
    %reduce_sum3A_508 = arith.constant dense<0.000000e+00> : vector<128xf32>
    %reduce_sum3A_509 = vector.multi_reduction <add>, %mul3A_507, %reduce_sum3A_508 [1] : vector<128x32xf32> to vector<128xf32>
    %broadcast_in_dim3A_510 = vector.shape_cast %reduce_sum3A_509 : vector<128xf32> to vector<128x1xf32>
    %slice3A_511 = vector.extract_strided_slice %reshape3A_65 {offsets = [10, 0, 0], sizes = [1, 128, 32], strides = [1, 1, 1]} : vector<16x128x32xf32> to vector<1x128x32xf32>
    %squeeze3A_512 = vector.shape_cast %slice3A_511 : vector<1x128x32xf32> to vector<128x32xf32>
    %slice3A_513 = vector.extract_strided_slice %add3A_108 {offsets = [10, 0], sizes = [1, 32], strides = [1, 1]} : vector<16x32xf32> to vector<1x32xf32>
    %add3A_514 = vector.broadcast %slice3A_513 : vector<1x32xf32> to vector<128x32xf32>
    %add3A_515 = arith.addf %dot_general3A_499, %add3A_514 : vector<128x32xf32>
    %add3A_516 = vector.broadcast %mul3A_89 : vector<1x32xf32> to vector<128x32xf32>
    %add3A_517 = arith.addf %add3A_515, %add3A_516 : vector<128x32xf32>
    %mul3A_518 = arith.mulf %squeeze3A_512, %add3A_517 : vector<128x32xf32>
    %reduce_sum3A_519 = arith.constant dense<0.000000e+00> : vector<128xf32>
    %reduce_sum3A_520 = vector.multi_reduction <add>, %mul3A_518, %reduce_sum3A_519 [1] : vector<128x32xf32> to vector<128xf32>
    %broadcast_in_dim3A_521 = vector.shape_cast %reduce_sum3A_520 : vector<128xf32> to vector<128x1xf32>
    %convert_element_type3A_522 = arith.fptosi %broadcast_in_dim3A_510 : vector<128x1xf32> to vector<128x1xi32>
    %swap3A_523 = arith.constant 1280 : index
    %swap3A_524 = arith.constant 0 : index
    %swap3A_525 = vector.load %arg3[%swap3A_523, %swap3A_524] : memref<4096x1xi32, #tpu.memory_space<vmem>>, vector<128x1xi32>
    tpu.vector_store %arg3[%swap3A_523, %swap3A_524], %convert_element_type3A_522 {strides = array<i32>} : memref<4096x1xi32, #tpu.memory_space<vmem>>, vector<128x1xi32>,
    %convert_element_type3A_526 = arith.fptosi %broadcast_in_dim3A_521 : vector<128x1xf32> to vector<128x1xi32>
    %swap3A_527 = arith.constant 3328 : index
    %swap3A_528 = arith.constant 0 : index
    %swap3A_529 = vector.load %arg3[%swap3A_527, %swap3A_528] : memref<4096x1xi32, #tpu.memory_space<vmem>>, vector<128x1xi32>
    tpu.vector_store %arg3[%swap3A_527, %swap3A_528], %convert_element_type3A_526 {strides = array<i32>} : memref<4096x1xi32, #tpu.memory_space<vmem>>, vector<128x1xi32>,
    %slice3A_530 = vector.extract_strided_slice %reshape3A {offsets = [11, 0, 0], sizes = [1, 128, 32], strides = [1, 1, 1]} : vector<16x128x32xf32> to vector<1x128x32xf32>
    %squeeze3A_531 = vector.shape_cast %slice3A_530 : vector<1x128x32xf32> to vector<128x32xf32>
    %dot_general3A_532 = arith.constant dense<0.000000e+00> : vector<128x32xf32>
    %dot_general3A_533 = tpu.matmul %convert_element_type3A_113, %squeeze3A_531, %dot_general3A_532 {dimension_numbers = #tpu.dot_dimension_numbers<[1], [0], [0], [1], [0, 0, 1, 1], [], []>, transpose_lhs_hint = false} : vector<128x128xf32>, vector<128x32xf32>, vector<128x32xf32> -> vector<128x32xf32>
    %slice3A_534 = vector.extract_strided_slice %reshape3A_65 {offsets = [11, 0, 0], sizes = [1, 128, 32], strides = [1, 1, 1]} : vector<16x128x32xf32> to vector<1x128x32xf32>
    %squeeze3A_535 = vector.shape_cast %slice3A_534 : vector<1x128x32xf32> to vector<128x32xf32>
    %dot_general3A_536 = arith.constant dense<0.000000e+00> : vector<128x32xf32>
    %dot_general3A_537 = tpu.matmul %convert_element_type3A_113, %squeeze3A_535, %dot_general3A_536 {dimension_numbers = #tpu.dot_dimension_numbers<[1], [0], [0], [1], [0, 0, 1, 1], [], []>, transpose_lhs_hint = false} : vector<128x128xf32>, vector<128x32xf32>, vector<128x32xf32> -> vector<128x32xf32>
    %slice3A_538 = vector.extract_strided_slice %reshape3A {offsets = [11, 0, 0], sizes = [1, 128, 32], strides = [1, 1, 1]} : vector<16x128x32xf32> to vector<1x128x32xf32>
    %squeeze3A_539 = vector.shape_cast %slice3A_538 : vector<1x128x32xf32> to vector<128x32xf32>
    %slice3A_540 = vector.extract_strided_slice %dot_general3A_104 {offsets = [11, 0], sizes = [1, 32], strides = [1, 1]} : vector<16x32xf32> to vector<1x32xf32>
    %add3A_541 = vector.broadcast %slice3A_540 : vector<1x32xf32> to vector<128x32xf32>
    %add3A_542 = arith.addf %dot_general3A_533, %add3A_541 : vector<128x32xf32>
    %add3A_543 = vector.broadcast %mul3A_89 : vector<1x32xf32> to vector<128x32xf32>
    %add3A_544 = arith.addf %add3A_542, %add3A_543 : vector<128x32xf32>
    %mul3A_545 = arith.mulf %squeeze3A_539, %add3A_544 : vector<128x32xf32>
    %reduce_sum3A_546 = arith.constant dense<0.000000e+00> : vector<128xf32>
    %reduce_sum3A_547 = vector.multi_reduction <add>, %mul3A_545, %reduce_sum3A_546 [1] : vector<128x32xf32> to vector<128xf32>
    %broadcast_in_dim3A_548 = vector.shape_cast %reduce_sum3A_547 : vector<128xf32> to vector<128x1xf32>
    %slice3A_549 = vector.extract_strided_slice %reshape3A_65 {offsets = [11, 0, 0], sizes = [1, 128, 32], strides = [1, 1, 1]} : vector<16x128x32xf32> to vector<1x128x32xf32>
    %squeeze3A_550 = vector.shape_cast %slice3A_549 : vector<1x128x32xf32> to vector<128x32xf32>
    %slice3A_551 = vector.extract_strided_slice %add3A_108 {offsets = [11, 0], sizes = [1, 32], strides = [1, 1]} : vector<16x32xf32> to vector<1x32xf32>
    %add3A_552 = vector.broadcast %slice3A_551 : vector<1x32xf32> to vector<128x32xf32>
    %add3A_553 = arith.addf %dot_general3A_537, %add3A_552 : vector<128x32xf32>
    %add3A_554 = vector.broadcast %mul3A_89 : vector<1x32xf32> to vector<128x32xf32>
    %add3A_555 = arith.addf %add3A_553, %add3A_554 : vector<128x32xf32>
    %mul3A_556 = arith.mulf %squeeze3A_550, %add3A_555 : vector<128x32xf32>
    %reduce_sum3A_557 = arith.constant dense<0.000000e+00> : vector<128xf32>
    %reduce_sum3A_558 = vector.multi_reduction <add>, %mul3A_556, %reduce_sum3A_557 [1] : vector<128x32xf32> to vector<128xf32>
    %broadcast_in_dim3A_559 = vector.shape_cast %reduce_sum3A_558 : vector<128xf32> to vector<128x1xf32>
    %convert_element_type3A_560 = arith.fptosi %broadcast_in_dim3A_548 : vector<128x1xf32> to vector<128x1xi32>
    %swap3A_561 = arith.constant 1408 : index
    %swap3A_562 = arith.constant 0 : index
    %swap3A_563 = vector.load %arg3[%swap3A_561, %swap3A_562] : memref<4096x1xi32, #tpu.memory_space<vmem>>, vector<128x1xi32>
    tpu.vector_store %arg3[%swap3A_561, %swap3A_562], %convert_element_type3A_560 {strides = array<i32>} : memref<4096x1xi32, #tpu.memory_space<vmem>>, vector<128x1xi32>,
    %convert_element_type3A_564 = arith.fptosi %broadcast_in_dim3A_559 : vector<128x1xf32> to vector<128x1xi32>
    %swap3A_565 = arith.constant 3456 : index
    %swap3A_566 = arith.constant 0 : index
    %swap3A_567 = vector.load %arg3[%swap3A_565, %swap3A_566] : memref<4096x1xi32, #tpu.memory_space<vmem>>, vector<128x1xi32>
    tpu.vector_store %arg3[%swap3A_565, %swap3A_566], %convert_element_type3A_564 {strides = array<i32>} : memref<4096x1xi32, #tpu.memory_space<vmem>>, vector<128x1xi32>,
    %slice3A_568 = vector.extract_strided_slice %reshape3A {offsets = [12, 0, 0], sizes = [1, 128, 32], strides = [1, 1, 1]} : vector<16x128x32xf32> to vector<1x128x32xf32>
    %squeeze3A_569 = vector.shape_cast %slice3A_568 : vector<1x128x32xf32> to vector<128x32xf32>
    %dot_general3A_570 = arith.constant dense<0.000000e+00> : vector<128x32xf32>
    %dot_general3A_571 = tpu.matmul %convert_element_type3A_113, %squeeze3A_569, %dot_general3A_570 {dimension_numbers = #tpu.dot_dimension_numbers<[1], [0], [0], [1], [0, 0, 1, 1], [], []>, transpose_lhs_hint = false} : vector<128x128xf32>, vector<128x32xf32>, vector<128x32xf32> -> vector<128x32xf32>
    %slice3A_572 = vector.extract_strided_slice %reshape3A_65 {offsets = [12, 0, 0], sizes = [1, 128, 32], strides = [1, 1, 1]} : vector<16x128x32xf32> to vector<1x128x32xf32>
    %squeeze3A_573 = vector.shape_cast %slice3A_572 : vector<1x128x32xf32> to vector<128x32xf32>
    %dot_general3A_574 = arith.constant dense<0.000000e+00> : vector<128x32xf32>
    %dot_general3A_575 = tpu.matmul %convert_element_type3A_113, %squeeze3A_573, %dot_general3A_574 {dimension_numbers = #tpu.dot_dimension_numbers<[1], [0], [0], [1], [0, 0, 1, 1], [], []>, transpose_lhs_hint = false} : vector<128x128xf32>, vector<128x32xf32>, vector<128x32xf32> -> vector<128x32xf32>
    %slice3A_576 = vector.extract_strided_slice %reshape3A {offsets = [12, 0, 0], sizes = [1, 128, 32], strides = [1, 1, 1]} : vector<16x128x32xf32> to vector<1x128x32xf32>
    %squeeze3A_577 = vector.shape_cast %slice3A_576 : vector<1x128x32xf32> to vector<128x32xf32>
    %slice3A_578 = vector.extract_strided_slice %dot_general3A_104 {offsets = [12, 0], sizes = [1, 32], strides = [1, 1]} : vector<16x32xf32> to vector<1x32xf32>
    %add3A_579 = vector.broadcast %slice3A_578 : vector<1x32xf32> to vector<128x32xf32>
    %add3A_580 = arith.addf %dot_general3A_571, %add3A_579 : vector<128x32xf32>
    %add3A_581 = vector.broadcast %mul3A_89 : vector<1x32xf32> to vector<128x32xf32>
    %add3A_582 = arith.addf %add3A_580, %add3A_581 : vector<128x32xf32>
    %mul3A_583 = arith.mulf %squeeze3A_577, %add3A_582 : vector<128x32xf32>
    %reduce_sum3A_584 = arith.constant dense<0.000000e+00> : vector<128xf32>
    %reduce_sum3A_585 = vector.multi_reduction <add>, %mul3A_583, %reduce_sum3A_584 [1] : vector<128x32xf32> to vector<128xf32>
    %broadcast_in_dim3A_586 = vector.shape_cast %reduce_sum3A_585 : vector<128xf32> to vector<128x1xf32>
    %slice3A_587 = vector.extract_strided_slice %reshape3A_65 {offsets = [12, 0, 0], sizes = [1, 128, 32], strides = [1, 1, 1]} : vector<16x128x32xf32> to vector<1x128x32xf32>
    %squeeze3A_588 = vector.shape_cast %slice3A_587 : vector<1x128x32xf32> to vector<128x32xf32>
    %slice3A_589 = vector.extract_strided_slice %add3A_108 {offsets = [12, 0], sizes = [1, 32], strides = [1, 1]} : vector<16x32xf32> to vector<1x32xf32>
    %add3A_590 = vector.broadcast %slice3A_589 : vector<1x32xf32> to vector<128x32xf32>
    %add3A_591 = arith.addf %dot_general3A_575, %add3A_590 : vector<128x32xf32>
    %add3A_592 = vector.broadcast %mul3A_89 : vector<1x32xf32> to vector<128x32xf32>
    %add3A_593 = arith.addf %add3A_591, %add3A_592 : vector<128x32xf32>
    %mul3A_594 = arith.mulf %squeeze3A_588, %add3A_593 : vector<128x32xf32>
    %reduce_sum3A_595 = arith.constant dense<0.000000e+00> : vector<128xf32>
    %reduce_sum3A_596 = vector.multi_reduction <add>, %mul3A_594, %reduce_sum3A_595 [1] : vector<128x32xf32> to vector<128xf32>
    %broadcast_in_dim3A_597 = vector.shape_cast %reduce_sum3A_596 : vector<128xf32> to vector<128x1xf32>
    %convert_element_type3A_598 = arith.fptosi %broadcast_in_dim3A_586 : vector<128x1xf32> to vector<128x1xi32>
    %swap3A_599 = arith.constant 1536 : index
    %swap3A_600 = arith.constant 0 : index
    %swap3A_601 = vector.load %arg3[%swap3A_599, %swap3A_600] : memref<4096x1xi32, #tpu.memory_space<vmem>>, vector<128x1xi32>
    tpu.vector_store %arg3[%swap3A_599, %swap3A_600], %convert_element_type3A_598 {strides = array<i32>} : memref<4096x1xi32, #tpu.memory_space<vmem>>, vector<128x1xi32>,
    %convert_element_type3A_602 = arith.fptosi %broadcast_in_dim3A_597 : vector<128x1xf32> to vector<128x1xi32>
    %swap3A_603 = arith.constant 3584 : index
    %swap3A_604 = arith.constant 0 : index
    %swap3A_605 = vector.load %arg3[%swap3A_603, %swap3A_604] : memref<4096x1xi32, #tpu.memory_space<vmem>>, vector<128x1xi32>
    tpu.vector_store %arg3[%swap3A_603, %swap3A_604], %convert_element_type3A_602 {strides = array<i32>} : memref<4096x1xi32, #tpu.memory_space<vmem>>, vector<128x1xi32>,
    %slice3A_606 = vector.extract_strided_slice %reshape3A {offsets = [13, 0, 0], sizes = [1, 128, 32], strides = [1, 1, 1]} : vector<16x128x32xf32> to vector<1x128x32xf32>
    %squeeze3A_607 = vector.shape_cast %slice3A_606 : vector<1x128x32xf32> to vector<128x32xf32>
    %dot_general3A_608 = arith.constant dense<0.000000e+00> : vector<128x32xf32>
    %dot_general3A_609 = tpu.matmul %convert_element_type3A_113, %squeeze3A_607, %dot_general3A_608 {dimension_numbers = #tpu.dot_dimension_numbers<[1], [0], [0], [1], [0, 0, 1, 1], [], []>, transpose_lhs_hint = false} : vector<128x128xf32>, vector<128x32xf32>, vector<128x32xf32> -> vector<128x32xf32>
    %slice3A_610 = vector.extract_strided_slice %reshape3A_65 {offsets = [13, 0, 0], sizes = [1, 128, 32], strides = [1, 1, 1]} : vector<16x128x32xf32> to vector<1x128x32xf32>
    %squeeze3A_611 = vector.shape_cast %slice3A_610 : vector<1x128x32xf32> to vector<128x32xf32>
    %dot_general3A_612 = arith.constant dense<0.000000e+00> : vector<128x32xf32>
    %dot_general3A_613 = tpu.matmul %convert_element_type3A_113, %squeeze3A_611, %dot_general3A_612 {dimension_numbers = #tpu.dot_dimension_numbers<[1], [0], [0], [1], [0, 0, 1, 1], [], []>, transpose_lhs_hint = false} : vector<128x128xf32>, vector<128x32xf32>, vector<128x32xf32> -> vector<128x32xf32>
    %slice3A_614 = vector.extract_strided_slice %reshape3A {offsets = [13, 0, 0], sizes = [1, 128, 32], strides = [1, 1, 1]} : vector<16x128x32xf32> to vector<1x128x32xf32>
    %squeeze3A_615 = vector.shape_cast %slice3A_614 : vector<1x128x32xf32> to vector<128x32xf32>
    %slice3A_616 = vector.extract_strided_slice %dot_general3A_104 {offsets = [13, 0], sizes = [1, 32], strides = [1, 1]} : vector<16x32xf32> to vector<1x32xf32>
    %add3A_617 = vector.broadcast %slice3A_616 : vector<1x32xf32> to vector<128x32xf32>
    %add3A_618 = arith.addf %dot_general3A_609, %add3A_617 : vector<128x32xf32>
    %add3A_619 = vector.broadcast %mul3A_89 : vector<1x32xf32> to vector<128x32xf32>
    %add3A_620 = arith.addf %add3A_618, %add3A_619 : vector<128x32xf32>
    %mul3A_621 = arith.mulf %squeeze3A_615, %add3A_620 : vector<128x32xf32>
    %reduce_sum3A_622 = arith.constant dense<0.000000e+00> : vector<128xf32>
    %reduce_sum3A_623 = vector.multi_reduction <add>, %mul3A_621, %reduce_sum3A_622 [1] : vector<128x32xf32> to vector<128xf32>
    %broadcast_in_dim3A_624 = vector.shape_cast %reduce_sum3A_623 : vector<128xf32> to vector<128x1xf32>
    %slice3A_625 = vector.extract_strided_slice %reshape3A_65 {offsets = [13, 0, 0], sizes = [1, 128, 32], strides = [1, 1, 1]} : vector<16x128x32xf32> to vector<1x128x32xf32>
    %squeeze3A_626 = vector.shape_cast %slice3A_625 : vector<1x128x32xf32> to vector<128x32xf32>
    %slice3A_627 = vector.extract_strided_slice %add3A_108 {offsets = [13, 0], sizes = [1, 32], strides = [1, 1]} : vector<16x32xf32> to vector<1x32xf32>
    %add3A_628 = vector.broadcast %slice3A_627 : vector<1x32xf32> to vector<128x32xf32>
    %add3A_629 = arith.addf %dot_general3A_613, %add3A_628 : vector<128x32xf32>
    %add3A_630 = vector.broadcast %mul3A_89 : vector<1x32xf32> to vector<128x32xf32>
    %add3A_631 = arith.addf %add3A_629, %add3A_630 : vector<128x32xf32>
    %mul3A_632 = arith.mulf %squeeze3A_626, %add3A_631 : vector<128x32xf32>
    %reduce_sum3A_633 = arith.constant dense<0.000000e+00> : vector<128xf32>
    %reduce_sum3A_634 = vector.multi_reduction <add>, %mul3A_632, %reduce_sum3A_633 [1] : vector<128x32xf32> to vector<128xf32>
    %broadcast_in_dim3A_635 = vector.shape_cast %reduce_sum3A_634 : vector<128xf32> to vector<128x1xf32>
    %convert_element_type3A_636 = arith.fptosi %broadcast_in_dim3A_624 : vector<128x1xf32> to vector<128x1xi32>
    %swap3A_637 = arith.constant 1664 : index
    %swap3A_638 = arith.constant 0 : index
    %swap3A_639 = vector.load %arg3[%swap3A_637, %swap3A_638] : memref<4096x1xi32, #tpu.memory_space<vmem>>, vector<128x1xi32>
    tpu.vector_store %arg3[%swap3A_637, %swap3A_638], %convert_element_type3A_636 {strides = array<i32>} : memref<4096x1xi32, #tpu.memory_space<vmem>>, vector<128x1xi32>,
    %convert_element_type3A_640 = arith.fptosi %broadcast_in_dim3A_635 : vector<128x1xf32> to vector<128x1xi32>
    %swap3A_641 = arith.constant 3712 : index
    %swap3A_642 = arith.constant 0 : index
    %swap3A_643 = vector.load %arg3[%swap3A_641, %swap3A_642] : memref<4096x1xi32, #tpu.memory_space<vmem>>, vector<128x1xi32>
    tpu.vector_store %arg3[%swap3A_641, %swap3A_642], %convert_element_type3A_640 {strides = array<i32>} : memref<4096x1xi32, #tpu.memory_space<vmem>>, vector<128x1xi32>,
    %slice3A_644 = vector.extract_strided_slice %reshape3A {offsets = [14, 0, 0], sizes = [1, 128, 32], strides = [1, 1, 1]} : vector<16x128x32xf32> to vector<1x128x32xf32>
    %squeeze3A_645 = vector.shape_cast %slice3A_644 : vector<1x128x32xf32> to vector<128x32xf32>
    %dot_general3A_646 = arith.constant dense<0.000000e+00> : vector<128x32xf32>
    %dot_general3A_647 = tpu.matmul %convert_element_type3A_113, %squeeze3A_645, %dot_general3A_646 {dimension_numbers = #tpu.dot_dimension_numbers<[1], [0], [0], [1], [0, 0, 1, 1], [], []>, transpose_lhs_hint = false} : vector<128x128xf32>, vector<128x32xf32>, vector<128x32xf32> -> vector<128x32xf32>
    %slice3A_648 = vector.extract_strided_slice %reshape3A_65 {offsets = [14, 0, 0], sizes = [1, 128, 32], strides = [1, 1, 1]} : vector<16x128x32xf32> to vector<1x128x32xf32>
    %squeeze3A_649 = vector.shape_cast %slice3A_648 : vector<1x128x32xf32> to vector<128x32xf32>
    %dot_general3A_650 = arith.constant dense<0.000000e+00> : vector<128x32xf32>
    %dot_general3A_651 = tpu.matmul %convert_element_type3A_113, %squeeze3A_649, %dot_general3A_650 {dimension_numbers = #tpu.dot_dimension_numbers<[1], [0], [0], [1], [0, 0, 1, 1], [], []>, transpose_lhs_hint = false} : vector<128x128xf32>, vector<128x32xf32>, vector<128x32xf32> -> vector<128x32xf32>
    %slice3A_652 = vector.extract_strided_slice %reshape3A {offsets = [14, 0, 0], sizes = [1, 128, 32], strides = [1, 1, 1]} : vector<16x128x32xf32> to vector<1x128x32xf32>
    %squeeze3A_653 = vector.shape_cast %slice3A_652 : vector<1x128x32xf32> to vector<128x32xf32>
    %slice3A_654 = vector.extract_strided_slice %dot_general3A_104 {offsets = [14, 0], sizes = [1, 32], strides = [1, 1]} : vector<16x32xf32> to vector<1x32xf32>
    %add3A_655 = vector.broadcast %slice3A_654 : vector<1x32xf32> to vector<128x32xf32>
    %add3A_656 = arith.addf %dot_general3A_647, %add3A_655 : vector<128x32xf32>
    %add3A_657 = vector.broadcast %mul3A_89 : vector<1x32xf32> to vector<128x32xf32>
    %add3A_658 = arith.addf %add3A_656, %add3A_657 : vector<128x32xf32>
    %mul3A_659 = arith.mulf %squeeze3A_653, %add3A_658 : vector<128x32xf32>
    %reduce_sum3A_660 = arith.constant dense<0.000000e+00> : vector<128xf32>
    %reduce_sum3A_661 = vector.multi_reduction <add>, %mul3A_659, %reduce_sum3A_660 [1] : vector<128x32xf32> to vector<128xf32>
    %broadcast_in_dim3A_662 = vector.shape_cast %reduce_sum3A_661 : vector<128xf32> to vector<128x1xf32>
    %slice3A_663 = vector.extract_strided_slice %reshape3A_65 {offsets = [14, 0, 0], sizes = [1, 128, 32], strides = [1, 1, 1]} : vector<16x128x32xf32> to vector<1x128x32xf32>
    %squeeze3A_664 = vector.shape_cast %slice3A_663 : vector<1x128x32xf32> to vector<128x32xf32>
    %slice3A_665 = vector.extract_strided_slice %add3A_108 {offsets = [14, 0], sizes = [1, 32], strides = [1, 1]} : vector<16x32xf32> to vector<1x32xf32>
    %add3A_666 = vector.broadcast %slice3A_665 : vector<1x32xf32> to vector<128x32xf32>
    %add3A_667 = arith.addf %dot_general3A_651, %add3A_666 : vector<128x32xf32>
    %add3A_668 = vector.broadcast %mul3A_89 : vector<1x32xf32> to vector<128x32xf32>
    %add3A_669 = arith.addf %add3A_667, %add3A_668 : vector<128x32xf32>
    %mul3A_670 = arith.mulf %squeeze3A_664, %add3A_669 : vector<128x32xf32>
    %reduce_sum3A_671 = arith.constant dense<0.000000e+00> : vector<128xf32>
    %reduce_sum3A_672 = vector.multi_reduction <add>, %mul3A_670, %reduce_sum3A_671 [1] : vector<128x32xf32> to vector<128xf32>
    %broadcast_in_dim3A_673 = vector.shape_cast %reduce_sum3A_672 : vector<128xf32> to vector<128x1xf32>
    %convert_element_type3A_674 = arith.fptosi %broadcast_in_dim3A_662 : vector<128x1xf32> to vector<128x1xi32>
    %swap3A_675 = arith.constant 1792 : index
    %swap3A_676 = arith.constant 0 : index
    %swap3A_677 = vector.load %arg3[%swap3A_675, %swap3A_676] : memref<4096x1xi32, #tpu.memory_space<vmem>>, vector<128x1xi32>
    tpu.vector_store %arg3[%swap3A_675, %swap3A_676], %convert_element_type3A_674 {strides = array<i32>} : memref<4096x1xi32, #tpu.memory_space<vmem>>, vector<128x1xi32>,
    %convert_element_type3A_678 = arith.fptosi %broadcast_in_dim3A_673 : vector<128x1xf32> to vector<128x1xi32>
    %swap3A_679 = arith.constant 3840 : index
    %swap3A_680 = arith.constant 0 : index
    %swap3A_681 = vector.load %arg3[%swap3A_679, %swap3A_680] : memref<4096x1xi32, #tpu.memory_space<vmem>>, vector<128x1xi32>
    tpu.vector_store %arg3[%swap3A_679, %swap3A_680], %convert_element_type3A_678 {strides = array<i32>} : memref<4096x1xi32, #tpu.memory_space<vmem>>, vector<128x1xi32>,
    %slice3A_682 = vector.extract_strided_slice %reshape3A {offsets = [15, 0, 0], sizes = [1, 128, 32], strides = [1, 1, 1]} : vector<16x128x32xf32> to vector<1x128x32xf32>
    %squeeze3A_683 = vector.shape_cast %slice3A_682 : vector<1x128x32xf32> to vector<128x32xf32>
    %dot_general3A_684 = arith.constant dense<0.000000e+00> : vector<128x32xf32>
    %dot_general3A_685 = tpu.matmul %convert_element_type3A_113, %squeeze3A_683, %dot_general3A_684 {dimension_numbers = #tpu.dot_dimension_numbers<[1], [0], [0], [1], [0, 0, 1, 1], [], []>, transpose_lhs_hint = false} : vector<128x128xf32>, vector<128x32xf32>, vector<128x32xf32> -> vector<128x32xf32>
    %slice3A_686 = vector.extract_strided_slice %reshape3A_65 {offsets = [15, 0, 0], sizes = [1, 128, 32], strides = [1, 1, 1]} : vector<16x128x32xf32> to vector<1x128x32xf32>
    %squeeze3A_687 = vector.shape_cast %slice3A_686 : vector<1x128x32xf32> to vector<128x32xf32>
    %dot_general3A_688 = arith.constant dense<0.000000e+00> : vector<128x32xf32>
    %dot_general3A_689 = tpu.matmul %convert_element_type3A_113, %squeeze3A_687, %dot_general3A_688 {dimension_numbers = #tpu.dot_dimension_numbers<[1], [0], [0], [1], [0, 0, 1, 1], [], []>, transpose_lhs_hint = false} : vector<128x128xf32>, vector<128x32xf32>, vector<128x32xf32> -> vector<128x32xf32>
    %slice3A_690 = vector.extract_strided_slice %reshape3A {offsets = [15, 0, 0], sizes = [1, 128, 32], strides = [1, 1, 1]} : vector<16x128x32xf32> to vector<1x128x32xf32>
    %squeeze3A_691 = vector.shape_cast %slice3A_690 : vector<1x128x32xf32> to vector<128x32xf32>
    %slice3A_692 = vector.extract_strided_slice %dot_general3A_104 {offsets = [15, 0], sizes = [1, 32], strides = [1, 1]} : vector<16x32xf32> to vector<1x32xf32>
    %add3A_693 = vector.broadcast %slice3A_692 : vector<1x32xf32> to vector<128x32xf32>
    %add3A_694 = arith.addf %dot_general3A_685, %add3A_693 : vector<128x32xf32>
    %add3A_695 = vector.broadcast %mul3A_89 : vector<1x32xf32> to vector<128x32xf32>
    %add3A_696 = arith.addf %add3A_694, %add3A_695 : vector<128x32xf32>
    %mul3A_697 = arith.mulf %squeeze3A_691, %add3A_696 : vector<128x32xf32>
    %reduce_sum3A_698 = arith.constant dense<0.000000e+00> : vector<128xf32>
    %reduce_sum3A_699 = vector.multi_reduction <add>, %mul3A_697, %reduce_sum3A_698 [1] : vector<128x32xf32> to vector<128xf32>
    %broadcast_in_dim3A_700 = vector.shape_cast %reduce_sum3A_699 : vector<128xf32> to vector<128x1xf32>
    %slice3A_701 = vector.extract_strided_slice %reshape3A_65 {offsets = [15, 0, 0], sizes = [1, 128, 32], strides = [1, 1, 1]} : vector<16x128x32xf32> to vector<1x128x32xf32>
    %squeeze3A_702 = vector.shape_cast %slice3A_701 : vector<1x128x32xf32> to vector<128x32xf32>
    %slice3A_703 = vector.extract_strided_slice %add3A_108 {offsets = [15, 0], sizes = [1, 32], strides = [1, 1]} : vector<16x32xf32> to vector<1x32xf32>
    %add3A_704 = vector.broadcast %slice3A_703 : vector<1x32xf32> to vector<128x32xf32>
    %add3A_705 = arith.addf %dot_general3A_689, %add3A_704 : vector<128x32xf32>
    %add3A_706 = vector.broadcast %mul3A_89 : vector<1x32xf32> to vector<128x32xf32>
    %add3A_707 = arith.addf %add3A_705, %add3A_706 : vector<128x32xf32>
    %mul3A_708 = arith.mulf %squeeze3A_702, %add3A_707 : vector<128x32xf32>
    %reduce_sum3A_709 = arith.constant dense<0.000000e+00> : vector<128xf32>
    %reduce_sum3A_710 = vector.multi_reduction <add>, %mul3A_708, %reduce_sum3A_709 [1] : vector<128x32xf32> to vector<128xf32>
    %broadcast_in_dim3A_711 = vector.shape_cast %reduce_sum3A_710 : vector<128xf32> to vector<128x1xf32>
    %convert_element_type3A_712 = arith.fptosi %broadcast_in_dim3A_700 : vector<128x1xf32> to vector<128x1xi32>
    %swap3A_713 = arith.constant 1920 : index
    %swap3A_714 = arith.constant 0 : index
    %swap3A_715 = vector.load %arg3[%swap3A_713, %swap3A_714] : memref<4096x1xi32, #tpu.memory_space<vmem>>, vector<128x1xi32>
    tpu.vector_store %arg3[%swap3A_713, %swap3A_714], %convert_element_type3A_712 {strides = array<i32>} : memref<4096x1xi32, #tpu.memory_space<vmem>>, vector<128x1xi32>,
    %convert_element_type3A_716 = arith.fptosi %broadcast_in_dim3A_711 : vector<128x1xf32> to vector<128x1xi32>
    %swap3A_717 = arith.constant 3968 : index
    %swap3A_718 = arith.constant 0 : index
    %swap3A_719 = vector.load %arg3[%swap3A_717, %swap3A_718] : memref<4096x1xi32, #tpu.memory_space<vmem>>, vector<128x1xi32>
    tpu.vector_store %arg3[%swap3A_717, %swap3A_718], %convert_element_type3A_716 {strides = array<i32>} : memref<4096x1xi32, #tpu.memory_space<vmem>>, vector<128x1xi32>,
    return
  }
}

module attributes {stable_mosaic.version = 14 : i64} {
  func.func @_gmm_step(%arg0: i32, %arg1: memref<32xi32, #tpu.memory_space<smem>>, %arg2: memref<32xi32, #tpu.memory_space<smem>>, %arg3: memref<8064x256xf32, #tpu.memory_space<vmem>>, %arg4: memref<4x1024x256xf32, #tpu.memory_space<vmem>>, %arg5: memref<4x256x1024xf32, #tpu.memory_space<vmem>>, %arg6: memref<8064x256xf32, #tpu.memory_space<vmem>>) attributes {dimension_semantics = [#tpu.dimension_semantics<arbitrary>], iteration_bounds = array<i64: 8>, scalar_prefetch = 2 : i64, scratch_operands = 0 : i64, tpu.core_type = #tpu.core_type<tc>, window_params = [{pipeline_mode = #tpu.pipeline_mode<synchronous>, transform_indices = @transform_0, window_bounds = array<i64: 8064, 256>}, {transform_indices = @transform_1, window_bounds = array<i64: 4, 1024, 256>}, {transform_indices = @transform_2, window_bounds = array<i64: 4, 256, 1024>}, {pipeline_mode = #tpu.pipeline_mode<synchronous>, transform_indices = @transform_3, window_bounds = array<i64: 8064, 256>}]} {
    %mul3A = arith.constant 4 : i32
    %mul3A_0 = arith.muli %arg0, %mul3A : i32
    %add3A = arith.constant 0 : i32
    %add3A_1 = arith.addi %mul3A_0, %add3A : i32
    %get3A = arith.index_cast %add3A_1 : i32 to index
    %get3A_2 = memref.load %arg1[%get3A] : memref<32xi32, #tpu.memory_space<smem>>
    %get3A_3 = arith.index_cast %add3A_1 : i32 to index
    %get3A_4 = memref.load %arg2[%get3A_3] : memref<32xi32, #tpu.memory_space<smem>>
    %get3A_5 = arith.constant 0 : index
    %get3A_6 = arith.constant 0 : index
    %get3A_7 = arith.constant 0 : index
    %get3A_8 = vector.load %arg4[%get3A_5, %get3A_6, %get3A_7] : memref<4x1024x256xf32, #tpu.memory_space<vmem>>, vector<1x1024x256xf32>
    %get3A_9 = vector.shape_cast %get3A_8 : vector<1x1024x256xf32> to vector<1024x256xf32>
    %get3A_10 = arith.constant 0 : index
    %get3A_11 = arith.constant 0 : index
    %get3A_12 = arith.constant 0 : index
    %get3A_13 = vector.load %arg5[%get3A_10, %get3A_11, %get3A_12] : memref<4x256x1024xf32, #tpu.memory_space<vmem>>, vector<1x256x1024xf32>
    %get3A_14 = vector.shape_cast %get3A_13 : vector<1x256x1024xf32> to vector<256x1024xf32>
    %jit3A = arith.constant 2 : i32
    %div3A = arith.divsi %get3A_4, %jit3A : i32
    %sign3A = arith.constant 0 : i32
    %sign3A_15 = arith.cmpi sgt, %get3A_4, %sign3A : i32
    %sign3A_16 = arith.extui %sign3A_15 : i1 to i32
    %sign3A_17 = arith.constant 0 : i32
    %sign3A_18 = arith.cmpi slt, %get3A_4, %sign3A_17 : i32
    %sign3A_19 = arith.extui %sign3A_18 : i1 to i32
    %sign3A_20 = arith.subi %sign3A_16, %sign3A_19 : i32
    %sign3A_21 = arith.constant 0 : i32
    %sign3A_22 = arith.cmpi sgt, %jit3A, %sign3A_21 : i32
    %sign3A_23 = arith.extui %sign3A_22 : i1 to i32
    %sign3A_24 = arith.constant 0 : i32
    %sign3A_25 = arith.cmpi slt, %jit3A, %sign3A_24 : i32
    %sign3A_26 = arith.extui %sign3A_25 : i1 to i32
    %sign3A_27 = arith.subi %sign3A_23, %sign3A_26 : i32
    %ne3A = arith.cmpi ne, %sign3A_20, %sign3A_27 : i32
    %rem3A = arith.remsi %get3A_4, %jit3A : i32
    %ne3A_28 = arith.constant 0 : i32
    %ne3A_29 = arith.cmpi ne, %rem3A, %ne3A_28 : i32
    %and3A = arith.andi %ne3A, %ne3A_29 : i1
    %sub3A = arith.constant 1 : i32
    %sub3A_30 = arith.subi %div3A, %sub3A : i32
    %select_n3A = arith.select %and3A, %sub3A_30, %div3A : i32
    %while3A = arith.constant 0 : i32
    %while3A_31 = arith.constant 0 : i32
    %while3A_32 = arith.subi %select_n3A, %while3A_31 : i32
    %while3A_33 = arith.addi %while3A_31, %while3A_32 : i32
    %while3A_34 = arith.constant 1 : i32
    %while3A_35 = arith.divsi %while3A_32, %while3A_34 : i32
    %while3A_36 = arith.muli %while3A_35, %while3A_34 : i32
    %while3A_37 = arith.addi %while3A_31, %while3A_36 : i32
    %while3A_38 = arith.constant 1 : i32
    scf.for %while3A_276 = %while3A_31 to %while3A_37 step %while3A_38  : i32 {
      %mul3A_277 = arith.constant 128 : i32
      %mul3A_278 = arith.muli %get3A_2, %mul3A_277 : i32
      %mul3A_279 = arith.constant 256 : i32
      %mul3A_280 = arith.muli %while3A_276, %mul3A_279 : i32
      %add3A_281 = arith.addi %mul3A_278, %mul3A_280 : i32
      %get3A_282 = arith.index_cast %add3A_281 : i32 to index
      %get3A_283 = arith.constant 0 : index
      %get3A_284 = vector.load %arg3[%get3A_282, %get3A_283] : memref<8064x256xf32, #tpu.memory_space<vmem>>, vector<256x256xf32>
      %dot_general3A = arith.constant dense<0.000000e+00> : vector<256x1024xf32>
      %dot_general3A_285 = tpu.matmul %get3A_284, %get3A_9, %dot_general3A {dimension_numbers = #tpu.dot_dimension_numbers<[1], [1], [0], [0], [0, 0, 1, 0], [], []>, transpose_lhs_hint = false} : vector<256x256xf32>, vector<1024x256xf32>, vector<256x1024xf32> -> vector<256x1024xf32>
      %max3A = arith.constant 0.000000e+00 : f32
      %max3A_286 = vector.broadcast %max3A : f32 to vector<256x1024xf32>
      %max3A_287 = arith.maximumf %dot_general3A_285, %max3A_286 : vector<256x1024xf32>
      %square3A = arith.mulf %max3A_287, %max3A_287 : vector<256x1024xf32>
      %dot_general3A_288 = arith.constant dense<0.000000e+00> : vector<256x256xf32>
      %dot_general3A_289 = tpu.matmul %square3A, %get3A_14, %dot_general3A_288 {dimension_numbers = #tpu.dot_dimension_numbers<[1], [1], [0], [0], [0, 0, 1, 0], [], []>, transpose_lhs_hint = false} : vector<256x1024xf32>, vector<256x1024xf32>, vector<256x256xf32> -> vector<256x256xf32>
      %swap3A = arith.index_cast %add3A_281 : i32 to index
      %swap3A_290 = arith.constant 0 : index
      %swap3A_291 = vector.load %arg6[%swap3A, %swap3A_290] : memref<8064x256xf32, #tpu.memory_space<vmem>>, vector<256x256xf32>
      tpu.vector_store %arg6[%swap3A, %swap3A_290], %dot_general3A_289 {strides = array<i32>} : memref<8064x256xf32, #tpu.memory_space<vmem>>, vector<256x256xf32>,
    }
    %while3A_39 = arith.constant 1 : i32
    scf.for %while3A_276 = %while3A_37 to %while3A_33 step %while3A_39  : i32 {
      %mul3A_277 = arith.constant 128 : i32
      %mul3A_278 = arith.muli %get3A_2, %mul3A_277 : i32
      %mul3A_279 = arith.constant 256 : i32
      %mul3A_280 = arith.muli %while3A_276, %mul3A_279 : i32
      %add3A_281 = arith.addi %mul3A_278, %mul3A_280 : i32
      %get3A_282 = arith.index_cast %add3A_281 : i32 to index
      %get3A_283 = arith.constant 0 : index
      %get3A_284 = vector.load %arg3[%get3A_282, %get3A_283] : memref<8064x256xf32, #tpu.memory_space<vmem>>, vector<256x256xf32>
      %dot_general3A = arith.constant dense<0.000000e+00> : vector<256x1024xf32>
      %dot_general3A_285 = tpu.matmul %get3A_284, %get3A_9, %dot_general3A {dimension_numbers = #tpu.dot_dimension_numbers<[1], [1], [0], [0], [0, 0, 1, 0], [], []>, transpose_lhs_hint = false} : vector<256x256xf32>, vector<1024x256xf32>, vector<256x1024xf32> -> vector<256x1024xf32>
      %max3A = arith.constant 0.000000e+00 : f32
      %max3A_286 = vector.broadcast %max3A : f32 to vector<256x1024xf32>
      %max3A_287 = arith.maximumf %dot_general3A_285, %max3A_286 : vector<256x1024xf32>
      %square3A = arith.mulf %max3A_287, %max3A_287 : vector<256x1024xf32>
      %dot_general3A_288 = arith.constant dense<0.000000e+00> : vector<256x256xf32>
      %dot_general3A_289 = tpu.matmul %square3A, %get3A_14, %dot_general3A_288 {dimension_numbers = #tpu.dot_dimension_numbers<[1], [1], [0], [0], [0, 0, 1, 0], [], []>, transpose_lhs_hint = false} : vector<256x1024xf32>, vector<256x1024xf32>, vector<256x256xf32> -> vector<256x256xf32>
      %swap3A = arith.index_cast %add3A_281 : i32 to index
      %swap3A_290 = arith.constant 0 : index
      %swap3A_291 = vector.load %arg6[%swap3A, %swap3A_290] : memref<8064x256xf32, #tpu.memory_space<vmem>>, vector<256x256xf32>
      tpu.vector_store %arg6[%swap3A, %swap3A_290], %dot_general3A_289 {strides = array<i32>} : memref<8064x256xf32, #tpu.memory_space<vmem>>, vector<256x256xf32>,
    }
    %jit3A_40 = arith.constant 2 : i32
    %eq3A = arith.constant 0 : i32
    %eq3A_41 = arith.cmpi eq, %jit3A_40, %eq3A : i32
    %jit3A_42 = arith.constant 1 : i32
    %select_n3A_43 = arith.select %eq3A_41, %jit3A_42, %jit3A_40 : i32
    %rem3A_44 = arith.remsi %get3A_4, %select_n3A_43 : i32
    %ne3A_45 = arith.constant 0 : i32
    %ne3A_46 = arith.cmpi ne, %rem3A_44, %ne3A_45 : i32
    %lt3A = arith.constant 0 : i32
    %lt3A_47 = arith.cmpi slt, %rem3A_44, %lt3A : i32
    %lt3A_48 = arith.constant 0 : i32
    %lt3A_49 = arith.cmpi slt, %select_n3A_43, %lt3A_48 : i32
    %ne3A_50 = arith.xori %lt3A_47, %lt3A_49 : i1
    %and3A_51 = arith.andi %ne3A_50, %ne3A_46 : i1
    %add3A_52 = arith.addi %rem3A_44, %select_n3A_43 : i32
    %select_n3A_53 = arith.select %and3A_51, %add3A_52, %rem3A_44 : i32
    %eq3A_54 = arith.constant 1 : i32
    %eq3A_55 = arith.cmpi eq, %select_n3A_53, %eq3A_54 : i32
    %convert_element_type3A = arith.extui %eq3A_55 : i1 to i32
    %cond3A = arith.constant 0 : i32
    %cond3A_56 = arith.cmpi ne, %convert_element_type3A, %cond3A : i32
    scf.if %cond3A_56 {
      %add3A_276 = arith.addi %get3A_2, %get3A_4 : i32
      %sub3A_277 = arith.constant 1 : i32
      %sub3A_278 = arith.subi %add3A_276, %sub3A_277 : i32
      %mul3A_279 = arith.constant 128 : i32
      %mul3A_280 = arith.muli %sub3A_278, %mul3A_279 : i32
      %get3A_281 = arith.index_cast %mul3A_280 : i32 to index
      %get3A_282 = arith.constant 0 : index
      %get3A_283 = vector.load %arg3[%get3A_281, %get3A_282] : memref<8064x256xf32, #tpu.memory_space<vmem>>, vector<128x256xf32>
      %dot_general3A = arith.constant dense<0.000000e+00> : vector<128x1024xf32>
      %dot_general3A_284 = tpu.matmul %get3A_283, %get3A_9, %dot_general3A {dimension_numbers = #tpu.dot_dimension_numbers<[1], [1], [0], [0], [0, 0, 1, 0], [], []>, transpose_lhs_hint = false} : vector<128x256xf32>, vector<1024x256xf32>, vector<128x1024xf32> -> vector<128x1024xf32>
      %max3A = arith.constant 0.000000e+00 : f32
      %max3A_285 = vector.broadcast %max3A : f32 to vector<128x1024xf32>
      %max3A_286 = arith.maximumf %dot_general3A_284, %max3A_285 : vector<128x1024xf32>
      %square3A = arith.mulf %max3A_286, %max3A_286 : vector<128x1024xf32>
      %dot_general3A_287 = arith.constant dense<0.000000e+00> : vector<128x256xf32>
      %dot_general3A_288 = tpu.matmul %square3A, %get3A_14, %dot_general3A_287 {dimension_numbers = #tpu.dot_dimension_numbers<[1], [1], [0], [0], [0, 0, 1, 0], [], []>, transpose_lhs_hint = false} : vector<128x1024xf32>, vector<256x1024xf32>, vector<128x256xf32> -> vector<128x256xf32>
      %swap3A = arith.index_cast %mul3A_280 : i32 to index
      %swap3A_289 = arith.constant 0 : index
      %swap3A_290 = vector.load %arg6[%swap3A, %swap3A_289] : memref<8064x256xf32, #tpu.memory_space<vmem>>, vector<128x256xf32>
      tpu.vector_store %arg6[%swap3A, %swap3A_289], %dot_general3A_288 {strides = array<i32>} : memref<8064x256xf32, #tpu.memory_space<vmem>>, vector<128x256xf32>,
    } else {
    }
    %mul3A_57 = arith.constant 4 : i32
    %mul3A_58 = arith.muli %arg0, %mul3A_57 : i32
    %add3A_59 = arith.constant 1 : i32
    %add3A_60 = arith.addi %mul3A_58, %add3A_59 : i32
    %get3A_61 = arith.index_cast %add3A_60 : i32 to index
    %get3A_62 = memref.load %arg1[%get3A_61] : memref<32xi32, #tpu.memory_space<smem>>
    %get3A_63 = arith.index_cast %add3A_60 : i32 to index
    %get3A_64 = memref.load %arg2[%get3A_63] : memref<32xi32, #tpu.memory_space<smem>>
    %get3A_65 = arith.constant 1 : index
    %get3A_66 = arith.constant 0 : index
    %get3A_67 = arith.constant 0 : index
    %get3A_68 = vector.load %arg4[%get3A_65, %get3A_66, %get3A_67] : memref<4x1024x256xf32, #tpu.memory_space<vmem>>, vector<1x1024x256xf32>
    %get3A_69 = vector.shape_cast %get3A_68 : vector<1x1024x256xf32> to vector<1024x256xf32>
    %get3A_70 = arith.constant 1 : index
    %get3A_71 = arith.constant 0 : index
    %get3A_72 = arith.constant 0 : index
    %get3A_73 = vector.load %arg5[%get3A_70, %get3A_71, %get3A_72] : memref<4x256x1024xf32, #tpu.memory_space<vmem>>, vector<1x256x1024xf32>
    %get3A_74 = vector.shape_cast %get3A_73 : vector<1x256x1024xf32> to vector<256x1024xf32>
    %jit3A_75 = arith.constant 2 : i32
    %div3A_76 = arith.divsi %get3A_64, %jit3A_75 : i32
    %sign3A_77 = arith.constant 0 : i32
    %sign3A_78 = arith.cmpi sgt, %get3A_64, %sign3A_77 : i32
    %sign3A_79 = arith.extui %sign3A_78 : i1 to i32
    %sign3A_80 = arith.constant 0 : i32
    %sign3A_81 = arith.cmpi slt, %get3A_64, %sign3A_80 : i32
    %sign3A_82 = arith.extui %sign3A_81 : i1 to i32
    %sign3A_83 = arith.subi %sign3A_79, %sign3A_82 : i32
    %sign3A_84 = arith.constant 0 : i32
    %sign3A_85 = arith.cmpi sgt, %jit3A_75, %sign3A_84 : i32
    %sign3A_86 = arith.extui %sign3A_85 : i1 to i32
    %sign3A_87 = arith.constant 0 : i32
    %sign3A_88 = arith.cmpi slt, %jit3A_75, %sign3A_87 : i32
    %sign3A_89 = arith.extui %sign3A_88 : i1 to i32
    %sign3A_90 = arith.subi %sign3A_86, %sign3A_89 : i32
    %ne3A_91 = arith.cmpi ne, %sign3A_83, %sign3A_90 : i32
    %rem3A_92 = arith.remsi %get3A_64, %jit3A_75 : i32
    %ne3A_93 = arith.constant 0 : i32
    %ne3A_94 = arith.cmpi ne, %rem3A_92, %ne3A_93 : i32
    %and3A_95 = arith.andi %ne3A_91, %ne3A_94 : i1
    %sub3A_96 = arith.constant 1 : i32
    %sub3A_97 = arith.subi %div3A_76, %sub3A_96 : i32
    %select_n3A_98 = arith.select %and3A_95, %sub3A_97, %div3A_76 : i32
    %while3A_99 = arith.constant 0 : i32
    %while3A_100 = arith.constant 0 : i32
    %while3A_101 = arith.subi %select_n3A_98, %while3A_100 : i32
    %while3A_102 = arith.addi %while3A_100, %while3A_101 : i32
    %while3A_103 = arith.constant 1 : i32
    %while3A_104 = arith.divsi %while3A_101, %while3A_103 : i32
    %while3A_105 = arith.muli %while3A_104, %while3A_103 : i32
    %while3A_106 = arith.addi %while3A_100, %while3A_105 : i32
    %while3A_107 = arith.constant 1 : i32
    scf.for %while3A_276 = %while3A_100 to %while3A_106 step %while3A_107  : i32 {
      %mul3A_277 = arith.constant 128 : i32
      %mul3A_278 = arith.muli %get3A_62, %mul3A_277 : i32
      %mul3A_279 = arith.constant 256 : i32
      %mul3A_280 = arith.muli %while3A_276, %mul3A_279 : i32
      %add3A_281 = arith.addi %mul3A_278, %mul3A_280 : i32
      %get3A_282 = arith.index_cast %add3A_281 : i32 to index
      %get3A_283 = arith.constant 0 : index
      %get3A_284 = vector.load %arg3[%get3A_282, %get3A_283] : memref<8064x256xf32, #tpu.memory_space<vmem>>, vector<256x256xf32>
      %dot_general3A = arith.constant dense<0.000000e+00> : vector<256x1024xf32>
      %dot_general3A_285 = tpu.matmul %get3A_284, %get3A_69, %dot_general3A {dimension_numbers = #tpu.dot_dimension_numbers<[1], [1], [0], [0], [0, 0, 1, 0], [], []>, transpose_lhs_hint = false} : vector<256x256xf32>, vector<1024x256xf32>, vector<256x1024xf32> -> vector<256x1024xf32>
      %max3A = arith.constant 0.000000e+00 : f32
      %max3A_286 = vector.broadcast %max3A : f32 to vector<256x1024xf32>
      %max3A_287 = arith.maximumf %dot_general3A_285, %max3A_286 : vector<256x1024xf32>
      %square3A = arith.mulf %max3A_287, %max3A_287 : vector<256x1024xf32>
      %dot_general3A_288 = arith.constant dense<0.000000e+00> : vector<256x256xf32>
      %dot_general3A_289 = tpu.matmul %square3A, %get3A_74, %dot_general3A_288 {dimension_numbers = #tpu.dot_dimension_numbers<[1], [1], [0], [0], [0, 0, 1, 0], [], []>, transpose_lhs_hint = false} : vector<256x1024xf32>, vector<256x1024xf32>, vector<256x256xf32> -> vector<256x256xf32>
      %swap3A = arith.index_cast %add3A_281 : i32 to index
      %swap3A_290 = arith.constant 0 : index
      %swap3A_291 = vector.load %arg6[%swap3A, %swap3A_290] : memref<8064x256xf32, #tpu.memory_space<vmem>>, vector<256x256xf32>
      tpu.vector_store %arg6[%swap3A, %swap3A_290], %dot_general3A_289 {strides = array<i32>} : memref<8064x256xf32, #tpu.memory_space<vmem>>, vector<256x256xf32>,
    }
    %while3A_108 = arith.constant 1 : i32
    scf.for %while3A_276 = %while3A_106 to %while3A_102 step %while3A_108  : i32 {
      %mul3A_277 = arith.constant 128 : i32
      %mul3A_278 = arith.muli %get3A_62, %mul3A_277 : i32
      %mul3A_279 = arith.constant 256 : i32
      %mul3A_280 = arith.muli %while3A_276, %mul3A_279 : i32
      %add3A_281 = arith.addi %mul3A_278, %mul3A_280 : i32
      %get3A_282 = arith.index_cast %add3A_281 : i32 to index
      %get3A_283 = arith.constant 0 : index
      %get3A_284 = vector.load %arg3[%get3A_282, %get3A_283] : memref<8064x256xf32, #tpu.memory_space<vmem>>, vector<256x256xf32>
      %dot_general3A = arith.constant dense<0.000000e+00> : vector<256x1024xf32>
      %dot_general3A_285 = tpu.matmul %get3A_284, %get3A_69, %dot_general3A {dimension_numbers = #tpu.dot_dimension_numbers<[1], [1], [0], [0], [0, 0, 1, 0], [], []>, transpose_lhs_hint = false} : vector<256x256xf32>, vector<1024x256xf32>, vector<256x1024xf32> -> vector<256x1024xf32>
      %max3A = arith.constant 0.000000e+00 : f32
      %max3A_286 = vector.broadcast %max3A : f32 to vector<256x1024xf32>
      %max3A_287 = arith.maximumf %dot_general3A_285, %max3A_286 : vector<256x1024xf32>
      %square3A = arith.mulf %max3A_287, %max3A_287 : vector<256x1024xf32>
      %dot_general3A_288 = arith.constant dense<0.000000e+00> : vector<256x256xf32>
      %dot_general3A_289 = tpu.matmul %square3A, %get3A_74, %dot_general3A_288 {dimension_numbers = #tpu.dot_dimension_numbers<[1], [1], [0], [0], [0, 0, 1, 0], [], []>, transpose_lhs_hint = false} : vector<256x1024xf32>, vector<256x1024xf32>, vector<256x256xf32> -> vector<256x256xf32>
      %swap3A = arith.index_cast %add3A_281 : i32 to index
      %swap3A_290 = arith.constant 0 : index
      %swap3A_291 = vector.load %arg6[%swap3A, %swap3A_290] : memref<8064x256xf32, #tpu.memory_space<vmem>>, vector<256x256xf32>
      tpu.vector_store %arg6[%swap3A, %swap3A_290], %dot_general3A_289 {strides = array<i32>} : memref<8064x256xf32, #tpu.memory_space<vmem>>, vector<256x256xf32>,
    }
    %jit3A_109 = arith.constant 2 : i32
    %eq3A_110 = arith.constant 0 : i32
    %eq3A_111 = arith.cmpi eq, %jit3A_109, %eq3A_110 : i32
    %jit3A_112 = arith.constant 1 : i32
    %select_n3A_113 = arith.select %eq3A_111, %jit3A_112, %jit3A_109 : i32
    %rem3A_114 = arith.remsi %get3A_64, %select_n3A_113 : i32
    %ne3A_115 = arith.constant 0 : i32
    %ne3A_116 = arith.cmpi ne, %rem3A_114, %ne3A_115 : i32
    %lt3A_117 = arith.constant 0 : i32
    %lt3A_118 = arith.cmpi slt, %rem3A_114, %lt3A_117 : i32
    %lt3A_119 = arith.constant 0 : i32
    %lt3A_120 = arith.cmpi slt, %select_n3A_113, %lt3A_119 : i32
    %ne3A_121 = arith.xori %lt3A_118, %lt3A_120 : i1
    %and3A_122 = arith.andi %ne3A_121, %ne3A_116 : i1
    %add3A_123 = arith.addi %rem3A_114, %select_n3A_113 : i32
    %select_n3A_124 = arith.select %and3A_122, %add3A_123, %rem3A_114 : i32
    %eq3A_125 = arith.constant 1 : i32
    %eq3A_126 = arith.cmpi eq, %select_n3A_124, %eq3A_125 : i32
    %convert_element_type3A_127 = arith.extui %eq3A_126 : i1 to i32
    %cond3A_128 = arith.constant 0 : i32
    %cond3A_129 = arith.cmpi ne, %convert_element_type3A_127, %cond3A_128 : i32
    scf.if %cond3A_129 {
      %add3A_276 = arith.addi %get3A_62, %get3A_64 : i32
      %sub3A_277 = arith.constant 1 : i32
      %sub3A_278 = arith.subi %add3A_276, %sub3A_277 : i32
      %mul3A_279 = arith.constant 128 : i32
      %mul3A_280 = arith.muli %sub3A_278, %mul3A_279 : i32
      %get3A_281 = arith.index_cast %mul3A_280 : i32 to index
      %get3A_282 = arith.constant 0 : index
      %get3A_283 = vector.load %arg3[%get3A_281, %get3A_282] : memref<8064x256xf32, #tpu.memory_space<vmem>>, vector<128x256xf32>
      %dot_general3A = arith.constant dense<0.000000e+00> : vector<128x1024xf32>
      %dot_general3A_284 = tpu.matmul %get3A_283, %get3A_69, %dot_general3A {dimension_numbers = #tpu.dot_dimension_numbers<[1], [1], [0], [0], [0, 0, 1, 0], [], []>, transpose_lhs_hint = false} : vector<128x256xf32>, vector<1024x256xf32>, vector<128x1024xf32> -> vector<128x1024xf32>
      %max3A = arith.constant 0.000000e+00 : f32
      %max3A_285 = vector.broadcast %max3A : f32 to vector<128x1024xf32>
      %max3A_286 = arith.maximumf %dot_general3A_284, %max3A_285 : vector<128x1024xf32>
      %square3A = arith.mulf %max3A_286, %max3A_286 : vector<128x1024xf32>
      %dot_general3A_287 = arith.constant dense<0.000000e+00> : vector<128x256xf32>
      %dot_general3A_288 = tpu.matmul %square3A, %get3A_74, %dot_general3A_287 {dimension_numbers = #tpu.dot_dimension_numbers<[1], [1], [0], [0], [0, 0, 1, 0], [], []>, transpose_lhs_hint = false} : vector<128x1024xf32>, vector<256x1024xf32>, vector<128x256xf32> -> vector<128x256xf32>
      %swap3A = arith.index_cast %mul3A_280 : i32 to index
      %swap3A_289 = arith.constant 0 : index
      %swap3A_290 = vector.load %arg6[%swap3A, %swap3A_289] : memref<8064x256xf32, #tpu.memory_space<vmem>>, vector<128x256xf32>
      tpu.vector_store %arg6[%swap3A, %swap3A_289], %dot_general3A_288 {strides = array<i32>} : memref<8064x256xf32, #tpu.memory_space<vmem>>, vector<128x256xf32>,
    } else {
    }
    %mul3A_130 = arith.constant 4 : i32
    %mul3A_131 = arith.muli %arg0, %mul3A_130 : i32
    %add3A_132 = arith.constant 2 : i32
    %add3A_133 = arith.addi %mul3A_131, %add3A_132 : i32
    %get3A_134 = arith.index_cast %add3A_133 : i32 to index
    %get3A_135 = memref.load %arg1[%get3A_134] : memref<32xi32, #tpu.memory_space<smem>>
    %get3A_136 = arith.index_cast %add3A_133 : i32 to index
    %get3A_137 = memref.load %arg2[%get3A_136] : memref<32xi32, #tpu.memory_space<smem>>
    %get3A_138 = arith.constant 2 : index
    %get3A_139 = arith.constant 0 : index
    %get3A_140 = arith.constant 0 : index
    %get3A_141 = vector.load %arg4[%get3A_138, %get3A_139, %get3A_140] : memref<4x1024x256xf32, #tpu.memory_space<vmem>>, vector<1x1024x256xf32>
    %get3A_142 = vector.shape_cast %get3A_141 : vector<1x1024x256xf32> to vector<1024x256xf32>
    %get3A_143 = arith.constant 2 : index
    %get3A_144 = arith.constant 0 : index
    %get3A_145 = arith.constant 0 : index
    %get3A_146 = vector.load %arg5[%get3A_143, %get3A_144, %get3A_145] : memref<4x256x1024xf32, #tpu.memory_space<vmem>>, vector<1x256x1024xf32>
    %get3A_147 = vector.shape_cast %get3A_146 : vector<1x256x1024xf32> to vector<256x1024xf32>
    %jit3A_148 = arith.constant 2 : i32
    %div3A_149 = arith.divsi %get3A_137, %jit3A_148 : i32
    %sign3A_150 = arith.constant 0 : i32
    %sign3A_151 = arith.cmpi sgt, %get3A_137, %sign3A_150 : i32
    %sign3A_152 = arith.extui %sign3A_151 : i1 to i32
    %sign3A_153 = arith.constant 0 : i32
    %sign3A_154 = arith.cmpi slt, %get3A_137, %sign3A_153 : i32
    %sign3A_155 = arith.extui %sign3A_154 : i1 to i32
    %sign3A_156 = arith.subi %sign3A_152, %sign3A_155 : i32
    %sign3A_157 = arith.constant 0 : i32
    %sign3A_158 = arith.cmpi sgt, %jit3A_148, %sign3A_157 : i32
    %sign3A_159 = arith.extui %sign3A_158 : i1 to i32
    %sign3A_160 = arith.constant 0 : i32
    %sign3A_161 = arith.cmpi slt, %jit3A_148, %sign3A_160 : i32
    %sign3A_162 = arith.extui %sign3A_161 : i1 to i32
    %sign3A_163 = arith.subi %sign3A_159, %sign3A_162 : i32
    %ne3A_164 = arith.cmpi ne, %sign3A_156, %sign3A_163 : i32
    %rem3A_165 = arith.remsi %get3A_137, %jit3A_148 : i32
    %ne3A_166 = arith.constant 0 : i32
    %ne3A_167 = arith.cmpi ne, %rem3A_165, %ne3A_166 : i32
    %and3A_168 = arith.andi %ne3A_164, %ne3A_167 : i1
    %sub3A_169 = arith.constant 1 : i32
    %sub3A_170 = arith.subi %div3A_149, %sub3A_169 : i32
    %select_n3A_171 = arith.select %and3A_168, %sub3A_170, %div3A_149 : i32
    %while3A_172 = arith.constant 0 : i32
    %while3A_173 = arith.constant 0 : i32
    %while3A_174 = arith.subi %select_n3A_171, %while3A_173 : i32
    %while3A_175 = arith.addi %while3A_173, %while3A_174 : i32
    %while3A_176 = arith.constant 1 : i32
    %while3A_177 = arith.divsi %while3A_174, %while3A_176 : i32
    %while3A_178 = arith.muli %while3A_177, %while3A_176 : i32
    %while3A_179 = arith.addi %while3A_173, %while3A_178 : i32
    %while3A_180 = arith.constant 1 : i32
    scf.for %while3A_276 = %while3A_173 to %while3A_179 step %while3A_180  : i32 {
      %mul3A_277 = arith.constant 128 : i32
      %mul3A_278 = arith.muli %get3A_135, %mul3A_277 : i32
      %mul3A_279 = arith.constant 256 : i32
      %mul3A_280 = arith.muli %while3A_276, %mul3A_279 : i32
      %add3A_281 = arith.addi %mul3A_278, %mul3A_280 : i32
      %get3A_282 = arith.index_cast %add3A_281 : i32 to index
      %get3A_283 = arith.constant 0 : index
      %get3A_284 = vector.load %arg3[%get3A_282, %get3A_283] : memref<8064x256xf32, #tpu.memory_space<vmem>>, vector<256x256xf32>
      %dot_general3A = arith.constant dense<0.000000e+00> : vector<256x1024xf32>
      %dot_general3A_285 = tpu.matmul %get3A_284, %get3A_142, %dot_general3A {dimension_numbers = #tpu.dot_dimension_numbers<[1], [1], [0], [0], [0, 0, 1, 0], [], []>, transpose_lhs_hint = false} : vector<256x256xf32>, vector<1024x256xf32>, vector<256x1024xf32> -> vector<256x1024xf32>
      %max3A = arith.constant 0.000000e+00 : f32
      %max3A_286 = vector.broadcast %max3A : f32 to vector<256x1024xf32>
      %max3A_287 = arith.maximumf %dot_general3A_285, %max3A_286 : vector<256x1024xf32>
      %square3A = arith.mulf %max3A_287, %max3A_287 : vector<256x1024xf32>
      %dot_general3A_288 = arith.constant dense<0.000000e+00> : vector<256x256xf32>
      %dot_general3A_289 = tpu.matmul %square3A, %get3A_147, %dot_general3A_288 {dimension_numbers = #tpu.dot_dimension_numbers<[1], [1], [0], [0], [0, 0, 1, 0], [], []>, transpose_lhs_hint = false} : vector<256x1024xf32>, vector<256x1024xf32>, vector<256x256xf32> -> vector<256x256xf32>
      %swap3A = arith.index_cast %add3A_281 : i32 to index
      %swap3A_290 = arith.constant 0 : index
      %swap3A_291 = vector.load %arg6[%swap3A, %swap3A_290] : memref<8064x256xf32, #tpu.memory_space<vmem>>, vector<256x256xf32>
      tpu.vector_store %arg6[%swap3A, %swap3A_290], %dot_general3A_289 {strides = array<i32>} : memref<8064x256xf32, #tpu.memory_space<vmem>>, vector<256x256xf32>,
    }
    %while3A_181 = arith.constant 1 : i32
    scf.for %while3A_276 = %while3A_179 to %while3A_175 step %while3A_181  : i32 {
      %mul3A_277 = arith.constant 128 : i32
      %mul3A_278 = arith.muli %get3A_135, %mul3A_277 : i32
      %mul3A_279 = arith.constant 256 : i32
      %mul3A_280 = arith.muli %while3A_276, %mul3A_279 : i32
      %add3A_281 = arith.addi %mul3A_278, %mul3A_280 : i32
      %get3A_282 = arith.index_cast %add3A_281 : i32 to index
      %get3A_283 = arith.constant 0 : index
      %get3A_284 = vector.load %arg3[%get3A_282, %get3A_283] : memref<8064x256xf32, #tpu.memory_space<vmem>>, vector<256x256xf32>
      %dot_general3A = arith.constant dense<0.000000e+00> : vector<256x1024xf32>
      %dot_general3A_285 = tpu.matmul %get3A_284, %get3A_142, %dot_general3A {dimension_numbers = #tpu.dot_dimension_numbers<[1], [1], [0], [0], [0, 0, 1, 0], [], []>, transpose_lhs_hint = false} : vector<256x256xf32>, vector<1024x256xf32>, vector<256x1024xf32> -> vector<256x1024xf32>
      %max3A = arith.constant 0.000000e+00 : f32
      %max3A_286 = vector.broadcast %max3A : f32 to vector<256x1024xf32>
      %max3A_287 = arith.maximumf %dot_general3A_285, %max3A_286 : vector<256x1024xf32>
      %square3A = arith.mulf %max3A_287, %max3A_287 : vector<256x1024xf32>
      %dot_general3A_288 = arith.constant dense<0.000000e+00> : vector<256x256xf32>
      %dot_general3A_289 = tpu.matmul %square3A, %get3A_147, %dot_general3A_288 {dimension_numbers = #tpu.dot_dimension_numbers<[1], [1], [0], [0], [0, 0, 1, 0], [], []>, transpose_lhs_hint = false} : vector<256x1024xf32>, vector<256x1024xf32>, vector<256x256xf32> -> vector<256x256xf32>
      %swap3A = arith.index_cast %add3A_281 : i32 to index
      %swap3A_290 = arith.constant 0 : index
      %swap3A_291 = vector.load %arg6[%swap3A, %swap3A_290] : memref<8064x256xf32, #tpu.memory_space<vmem>>, vector<256x256xf32>
      tpu.vector_store %arg6[%swap3A, %swap3A_290], %dot_general3A_289 {strides = array<i32>} : memref<8064x256xf32, #tpu.memory_space<vmem>>, vector<256x256xf32>,
    }
    %jit3A_182 = arith.constant 2 : i32
    %eq3A_183 = arith.constant 0 : i32
    %eq3A_184 = arith.cmpi eq, %jit3A_182, %eq3A_183 : i32
    %jit3A_185 = arith.constant 1 : i32
    %select_n3A_186 = arith.select %eq3A_184, %jit3A_185, %jit3A_182 : i32
    %rem3A_187 = arith.remsi %get3A_137, %select_n3A_186 : i32
    %ne3A_188 = arith.constant 0 : i32
    %ne3A_189 = arith.cmpi ne, %rem3A_187, %ne3A_188 : i32
    %lt3A_190 = arith.constant 0 : i32
    %lt3A_191 = arith.cmpi slt, %rem3A_187, %lt3A_190 : i32
    %lt3A_192 = arith.constant 0 : i32
    %lt3A_193 = arith.cmpi slt, %select_n3A_186, %lt3A_192 : i32
    %ne3A_194 = arith.xori %lt3A_191, %lt3A_193 : i1
    %and3A_195 = arith.andi %ne3A_194, %ne3A_189 : i1
    %add3A_196 = arith.addi %rem3A_187, %select_n3A_186 : i32
    %select_n3A_197 = arith.select %and3A_195, %add3A_196, %rem3A_187 : i32
    %eq3A_198 = arith.constant 1 : i32
    %eq3A_199 = arith.cmpi eq, %select_n3A_197, %eq3A_198 : i32
    %convert_element_type3A_200 = arith.extui %eq3A_199 : i1 to i32
    %cond3A_201 = arith.constant 0 : i32
    %cond3A_202 = arith.cmpi ne, %convert_element_type3A_200, %cond3A_201 : i32
    scf.if %cond3A_202 {
      %add3A_276 = arith.addi %get3A_135, %get3A_137 : i32
      %sub3A_277 = arith.constant 1 : i32
      %sub3A_278 = arith.subi %add3A_276, %sub3A_277 : i32
      %mul3A_279 = arith.constant 128 : i32
      %mul3A_280 = arith.muli %sub3A_278, %mul3A_279 : i32
      %get3A_281 = arith.index_cast %mul3A_280 : i32 to index
      %get3A_282 = arith.constant 0 : index
      %get3A_283 = vector.load %arg3[%get3A_281, %get3A_282] : memref<8064x256xf32, #tpu.memory_space<vmem>>, vector<128x256xf32>
      %dot_general3A = arith.constant dense<0.000000e+00> : vector<128x1024xf32>
      %dot_general3A_284 = tpu.matmul %get3A_283, %get3A_142, %dot_general3A {dimension_numbers = #tpu.dot_dimension_numbers<[1], [1], [0], [0], [0, 0, 1, 0], [], []>, transpose_lhs_hint = false} : vector<128x256xf32>, vector<1024x256xf32>, vector<128x1024xf32> -> vector<128x1024xf32>
      %max3A = arith.constant 0.000000e+00 : f32
      %max3A_285 = vector.broadcast %max3A : f32 to vector<128x1024xf32>
      %max3A_286 = arith.maximumf %dot_general3A_284, %max3A_285 : vector<128x1024xf32>
      %square3A = arith.mulf %max3A_286, %max3A_286 : vector<128x1024xf32>
      %dot_general3A_287 = arith.constant dense<0.000000e+00> : vector<128x256xf32>
      %dot_general3A_288 = tpu.matmul %square3A, %get3A_147, %dot_general3A_287 {dimension_numbers = #tpu.dot_dimension_numbers<[1], [1], [0], [0], [0, 0, 1, 0], [], []>, transpose_lhs_hint = false} : vector<128x1024xf32>, vector<256x1024xf32>, vector<128x256xf32> -> vector<128x256xf32>
      %swap3A = arith.index_cast %mul3A_280 : i32 to index
      %swap3A_289 = arith.constant 0 : index
      %swap3A_290 = vector.load %arg6[%swap3A, %swap3A_289] : memref<8064x256xf32, #tpu.memory_space<vmem>>, vector<128x256xf32>
      tpu.vector_store %arg6[%swap3A, %swap3A_289], %dot_general3A_288 {strides = array<i32>} : memref<8064x256xf32, #tpu.memory_space<vmem>>, vector<128x256xf32>,
    } else {
    }
    %mul3A_203 = arith.constant 4 : i32
    %mul3A_204 = arith.muli %arg0, %mul3A_203 : i32
    %add3A_205 = arith.constant 3 : i32
    %add3A_206 = arith.addi %mul3A_204, %add3A_205 : i32
    %get3A_207 = arith.index_cast %add3A_206 : i32 to index
    %get3A_208 = memref.load %arg1[%get3A_207] : memref<32xi32, #tpu.memory_space<smem>>
    %get3A_209 = arith.index_cast %add3A_206 : i32 to index
    %get3A_210 = memref.load %arg2[%get3A_209] : memref<32xi32, #tpu.memory_space<smem>>
    %get3A_211 = arith.constant 3 : index
    %get3A_212 = arith.constant 0 : index
    %get3A_213 = arith.constant 0 : index
    %get3A_214 = vector.load %arg4[%get3A_211, %get3A_212, %get3A_213] : memref<4x1024x256xf32, #tpu.memory_space<vmem>>, vector<1x1024x256xf32>
    %get3A_215 = vector.shape_cast %get3A_214 : vector<1x1024x256xf32> to vector<1024x256xf32>
    %get3A_216 = arith.constant 3 : index
    %get3A_217 = arith.constant 0 : index
    %get3A_218 = arith.constant 0 : index
    %get3A_219 = vector.load %arg5[%get3A_216, %get3A_217, %get3A_218] : memref<4x256x1024xf32, #tpu.memory_space<vmem>>, vector<1x256x1024xf32>
    %get3A_220 = vector.shape_cast %get3A_219 : vector<1x256x1024xf32> to vector<256x1024xf32>
    %jit3A_221 = arith.constant 2 : i32
    %div3A_222 = arith.divsi %get3A_210, %jit3A_221 : i32
    %sign3A_223 = arith.constant 0 : i32
    %sign3A_224 = arith.cmpi sgt, %get3A_210, %sign3A_223 : i32
    %sign3A_225 = arith.extui %sign3A_224 : i1 to i32
    %sign3A_226 = arith.constant 0 : i32
    %sign3A_227 = arith.cmpi slt, %get3A_210, %sign3A_226 : i32
    %sign3A_228 = arith.extui %sign3A_227 : i1 to i32
    %sign3A_229 = arith.subi %sign3A_225, %sign3A_228 : i32
    %sign3A_230 = arith.constant 0 : i32
    %sign3A_231 = arith.cmpi sgt, %jit3A_221, %sign3A_230 : i32
    %sign3A_232 = arith.extui %sign3A_231 : i1 to i32
    %sign3A_233 = arith.constant 0 : i32
    %sign3A_234 = arith.cmpi slt, %jit3A_221, %sign3A_233 : i32
    %sign3A_235 = arith.extui %sign3A_234 : i1 to i32
    %sign3A_236 = arith.subi %sign3A_232, %sign3A_235 : i32
    %ne3A_237 = arith.cmpi ne, %sign3A_229, %sign3A_236 : i32
    %rem3A_238 = arith.remsi %get3A_210, %jit3A_221 : i32
    %ne3A_239 = arith.constant 0 : i32
    %ne3A_240 = arith.cmpi ne, %rem3A_238, %ne3A_239 : i32
    %and3A_241 = arith.andi %ne3A_237, %ne3A_240 : i1
    %sub3A_242 = arith.constant 1 : i32
    %sub3A_243 = arith.subi %div3A_222, %sub3A_242 : i32
    %select_n3A_244 = arith.select %and3A_241, %sub3A_243, %div3A_222 : i32
    %while3A_245 = arith.constant 0 : i32
    %while3A_246 = arith.constant 0 : i32
    %while3A_247 = arith.subi %select_n3A_244, %while3A_246 : i32
    %while3A_248 = arith.addi %while3A_246, %while3A_247 : i32
    %while3A_249 = arith.constant 1 : i32
    %while3A_250 = arith.divsi %while3A_247, %while3A_249 : i32
    %while3A_251 = arith.muli %while3A_250, %while3A_249 : i32
    %while3A_252 = arith.addi %while3A_246, %while3A_251 : i32
    %while3A_253 = arith.constant 1 : i32
    scf.for %while3A_276 = %while3A_246 to %while3A_252 step %while3A_253  : i32 {
      %mul3A_277 = arith.constant 128 : i32
      %mul3A_278 = arith.muli %get3A_208, %mul3A_277 : i32
      %mul3A_279 = arith.constant 256 : i32
      %mul3A_280 = arith.muli %while3A_276, %mul3A_279 : i32
      %add3A_281 = arith.addi %mul3A_278, %mul3A_280 : i32
      %get3A_282 = arith.index_cast %add3A_281 : i32 to index
      %get3A_283 = arith.constant 0 : index
      %get3A_284 = vector.load %arg3[%get3A_282, %get3A_283] : memref<8064x256xf32, #tpu.memory_space<vmem>>, vector<256x256xf32>
      %dot_general3A = arith.constant dense<0.000000e+00> : vector<256x1024xf32>
      %dot_general3A_285 = tpu.matmul %get3A_284, %get3A_215, %dot_general3A {dimension_numbers = #tpu.dot_dimension_numbers<[1], [1], [0], [0], [0, 0, 1, 0], [], []>, transpose_lhs_hint = false} : vector<256x256xf32>, vector<1024x256xf32>, vector<256x1024xf32> -> vector<256x1024xf32>
      %max3A = arith.constant 0.000000e+00 : f32
      %max3A_286 = vector.broadcast %max3A : f32 to vector<256x1024xf32>
      %max3A_287 = arith.maximumf %dot_general3A_285, %max3A_286 : vector<256x1024xf32>
      %square3A = arith.mulf %max3A_287, %max3A_287 : vector<256x1024xf32>
      %dot_general3A_288 = arith.constant dense<0.000000e+00> : vector<256x256xf32>
      %dot_general3A_289 = tpu.matmul %square3A, %get3A_220, %dot_general3A_288 {dimension_numbers = #tpu.dot_dimension_numbers<[1], [1], [0], [0], [0, 0, 1, 0], [], []>, transpose_lhs_hint = false} : vector<256x1024xf32>, vector<256x1024xf32>, vector<256x256xf32> -> vector<256x256xf32>
      %swap3A = arith.index_cast %add3A_281 : i32 to index
      %swap3A_290 = arith.constant 0 : index
      %swap3A_291 = vector.load %arg6[%swap3A, %swap3A_290] : memref<8064x256xf32, #tpu.memory_space<vmem>>, vector<256x256xf32>
      tpu.vector_store %arg6[%swap3A, %swap3A_290], %dot_general3A_289 {strides = array<i32>} : memref<8064x256xf32, #tpu.memory_space<vmem>>, vector<256x256xf32>,
    }
    %while3A_254 = arith.constant 1 : i32
    scf.for %while3A_276 = %while3A_252 to %while3A_248 step %while3A_254  : i32 {
      %mul3A_277 = arith.constant 128 : i32
      %mul3A_278 = arith.muli %get3A_208, %mul3A_277 : i32
      %mul3A_279 = arith.constant 256 : i32
      %mul3A_280 = arith.muli %while3A_276, %mul3A_279 : i32
      %add3A_281 = arith.addi %mul3A_278, %mul3A_280 : i32
      %get3A_282 = arith.index_cast %add3A_281 : i32 to index
      %get3A_283 = arith.constant 0 : index
      %get3A_284 = vector.load %arg3[%get3A_282, %get3A_283] : memref<8064x256xf32, #tpu.memory_space<vmem>>, vector<256x256xf32>
      %dot_general3A = arith.constant dense<0.000000e+00> : vector<256x1024xf32>
      %dot_general3A_285 = tpu.matmul %get3A_284, %get3A_215, %dot_general3A {dimension_numbers = #tpu.dot_dimension_numbers<[1], [1], [0], [0], [0, 0, 1, 0], [], []>, transpose_lhs_hint = false} : vector<256x256xf32>, vector<1024x256xf32>, vector<256x1024xf32> -> vector<256x1024xf32>
      %max3A = arith.constant 0.000000e+00 : f32
      %max3A_286 = vector.broadcast %max3A : f32 to vector<256x1024xf32>
      %max3A_287 = arith.maximumf %dot_general3A_285, %max3A_286 : vector<256x1024xf32>
      %square3A = arith.mulf %max3A_287, %max3A_287 : vector<256x1024xf32>
      %dot_general3A_288 = arith.constant dense<0.000000e+00> : vector<256x256xf32>
      %dot_general3A_289 = tpu.matmul %square3A, %get3A_220, %dot_general3A_288 {dimension_numbers = #tpu.dot_dimension_numbers<[1], [1], [0], [0], [0, 0, 1, 0], [], []>, transpose_lhs_hint = false} : vector<256x1024xf32>, vector<256x1024xf32>, vector<256x256xf32> -> vector<256x256xf32>
      %swap3A = arith.index_cast %add3A_281 : i32 to index
      %swap3A_290 = arith.constant 0 : index
      %swap3A_291 = vector.load %arg6[%swap3A, %swap3A_290] : memref<8064x256xf32, #tpu.memory_space<vmem>>, vector<256x256xf32>
      tpu.vector_store %arg6[%swap3A, %swap3A_290], %dot_general3A_289 {strides = array<i32>} : memref<8064x256xf32, #tpu.memory_space<vmem>>, vector<256x256xf32>,
    }
    %jit3A_255 = arith.constant 2 : i32
    %eq3A_256 = arith.constant 0 : i32
    %eq3A_257 = arith.cmpi eq, %jit3A_255, %eq3A_256 : i32
    %jit3A_258 = arith.constant 1 : i32
    %select_n3A_259 = arith.select %eq3A_257, %jit3A_258, %jit3A_255 : i32
    %rem3A_260 = arith.remsi %get3A_210, %select_n3A_259 : i32
    %ne3A_261 = arith.constant 0 : i32
    %ne3A_262 = arith.cmpi ne, %rem3A_260, %ne3A_261 : i32
    %lt3A_263 = arith.constant 0 : i32
    %lt3A_264 = arith.cmpi slt, %rem3A_260, %lt3A_263 : i32
    %lt3A_265 = arith.constant 0 : i32
    %lt3A_266 = arith.cmpi slt, %select_n3A_259, %lt3A_265 : i32
    %ne3A_267 = arith.xori %lt3A_264, %lt3A_266 : i1
    %and3A_268 = arith.andi %ne3A_267, %ne3A_262 : i1
    %add3A_269 = arith.addi %rem3A_260, %select_n3A_259 : i32
    %select_n3A_270 = arith.select %and3A_268, %add3A_269, %rem3A_260 : i32
    %eq3A_271 = arith.constant 1 : i32
    %eq3A_272 = arith.cmpi eq, %select_n3A_270, %eq3A_271 : i32
    %convert_element_type3A_273 = arith.extui %eq3A_272 : i1 to i32
    %cond3A_274 = arith.constant 0 : i32
    %cond3A_275 = arith.cmpi ne, %convert_element_type3A_273, %cond3A_274 : i32
    scf.if %cond3A_275 {
      %add3A_276 = arith.addi %get3A_208, %get3A_210 : i32
      %sub3A_277 = arith.constant 1 : i32
      %sub3A_278 = arith.subi %add3A_276, %sub3A_277 : i32
      %mul3A_279 = arith.constant 128 : i32
      %mul3A_280 = arith.muli %sub3A_278, %mul3A_279 : i32
      %get3A_281 = arith.index_cast %mul3A_280 : i32 to index
      %get3A_282 = arith.constant 0 : index
      %get3A_283 = vector.load %arg3[%get3A_281, %get3A_282] : memref<8064x256xf32, #tpu.memory_space<vmem>>, vector<128x256xf32>
      %dot_general3A = arith.constant dense<0.000000e+00> : vector<128x1024xf32>
      %dot_general3A_284 = tpu.matmul %get3A_283, %get3A_215, %dot_general3A {dimension_numbers = #tpu.dot_dimension_numbers<[1], [1], [0], [0], [0, 0, 1, 0], [], []>, transpose_lhs_hint = false} : vector<128x256xf32>, vector<1024x256xf32>, vector<128x1024xf32> -> vector<128x1024xf32>
      %max3A = arith.constant 0.000000e+00 : f32
      %max3A_285 = vector.broadcast %max3A : f32 to vector<128x1024xf32>
      %max3A_286 = arith.maximumf %dot_general3A_284, %max3A_285 : vector<128x1024xf32>
      %square3A = arith.mulf %max3A_286, %max3A_286 : vector<128x1024xf32>
      %dot_general3A_287 = arith.constant dense<0.000000e+00> : vector<128x256xf32>
      %dot_general3A_288 = tpu.matmul %square3A, %get3A_220, %dot_general3A_287 {dimension_numbers = #tpu.dot_dimension_numbers<[1], [1], [0], [0], [0, 0, 1, 0], [], []>, transpose_lhs_hint = false} : vector<128x1024xf32>, vector<256x1024xf32>, vector<128x256xf32> -> vector<128x256xf32>
      %swap3A = arith.index_cast %mul3A_280 : i32 to index
      %swap3A_289 = arith.constant 0 : index
      %swap3A_290 = vector.load %arg6[%swap3A, %swap3A_289] : memref<8064x256xf32, #tpu.memory_space<vmem>>, vector<128x256xf32>
      tpu.vector_store %arg6[%swap3A, %swap3A_289], %dot_general3A_288 {strides = array<i32>} : memref<8064x256xf32, #tpu.memory_space<vmem>>, vector<128x256xf32>,
    } else {
    }
    return
  }
  func.func @transform_0(%arg0: i32, %arg1: memref<32xi32, #tpu.memory_space<smem>>, %arg2: memref<32xi32, #tpu.memory_space<smem>>) -> (i32, i32) {
    %c0_i32 = arith.constant 0 : i32
    %c0_i32_0 = arith.constant 0 : i32
    %c0_i32_1 = arith.constant 0 : i32
    return %c0_i32, %c0_i32_0 : i32, i32
  }
  func.func @transform_1(%arg0: i32, %arg1: memref<32xi32, #tpu.memory_space<smem>>, %arg2: memref<32xi32, #tpu.memory_space<smem>>) -> (i32, i32, i32) {
    %c0_i32 = arith.constant 0 : i32
    %c0_i32_0 = arith.constant 0 : i32
    %c0_i32_1 = arith.constant 0 : i32
    return %arg0, %c0_i32, %c0_i32_0 : i32, i32, i32
  }
  func.func @transform_2(%arg0: i32, %arg1: memref<32xi32, #tpu.memory_space<smem>>, %arg2: memref<32xi32, #tpu.memory_space<smem>>) -> (i32, i32, i32) {
    %c0_i32 = arith.constant 0 : i32
    %c0_i32_0 = arith.constant 0 : i32
    %c0_i32_1 = arith.constant 0 : i32
    return %arg0, %c0_i32, %c0_i32_0 : i32, i32, i32
  }
  func.func @transform_3(%arg0: i32, %arg1: memref<32xi32, #tpu.memory_space<smem>>, %arg2: memref<32xi32, #tpu.memory_space<smem>>) -> (i32, i32) {
    %c0_i32 = arith.constant 0 : i32
    %c0_i32_0 = arith.constant 0 : i32
    %c0_i32_1 = arith.constant 0 : i32
    return %c0_i32, %c0_i32_0 : i32, i32
  }
}

module attributes {stable_mosaic.version = 14 : i64} {
  func.func @_combine_body(%arg0: memref<4096x256xf32, #tpu.memory_space<vmem>>, %arg1: memref<2048x1xf32, #tpu.memory_space<vmem>>, %arg2: memref<2048x1xf32, #tpu.memory_space<vmem>>, %arg3: memref<2048x256xf32, #tpu.memory_space<vmem>>) attributes {dimension_semantics = [], scalar_prefetch = 0 : i64, scratch_operands = 0 : i64, tpu.core_type = #tpu.core_type<tc>} {
    %get3A = arith.constant 0 : index
    %get3A_0 = arith.constant 0 : index
    %get3A_1 = vector.load %arg0[%get3A, %get3A_0] : memref<4096x256xf32, #tpu.memory_space<vmem>>, vector<2048x256xf32>
    %get3A_2 = arith.constant 0 : index
    %get3A_3 = arith.constant 0 : index
    %get3A_4 = vector.load %arg1[%get3A_2, %get3A_3] : memref<2048x1xf32, #tpu.memory_space<vmem>>, vector<2048x1xf32>
    %mul3A = vector.broadcast %get3A_4 : vector<2048x1xf32> to vector<2048x256xf32>
    %mul3A_5 = arith.mulf %get3A_1, %mul3A : vector<2048x256xf32>
    %get3A_6 = arith.constant 2048 : index
    %get3A_7 = arith.constant 0 : index
    %get3A_8 = vector.load %arg0[%get3A_6, %get3A_7] : memref<4096x256xf32, #tpu.memory_space<vmem>>, vector<2048x256xf32>
    %get3A_9 = arith.constant 0 : index
    %get3A_10 = arith.constant 0 : index
    %get3A_11 = vector.load %arg2[%get3A_9, %get3A_10] : memref<2048x1xf32, #tpu.memory_space<vmem>>, vector<2048x1xf32>
    %mul3A_12 = vector.broadcast %get3A_11 : vector<2048x1xf32> to vector<2048x256xf32>
    %mul3A_13 = arith.mulf %get3A_8, %mul3A_12 : vector<2048x256xf32>
    %add3A = arith.addf %mul3A_5, %mul3A_13 : vector<2048x256xf32>
    %swap3A = arith.constant 0 : index
    %swap3A_14 = arith.constant 0 : index
    %swap3A_15 = vector.load %arg3[%swap3A, %swap3A_14] : memref<2048x256xf32, #tpu.memory_space<vmem>>, vector<2048x256xf32>
    tpu.vector_store %arg3[%swap3A, %swap3A_14], %add3A {strides = array<i32>} : memref<2048x256xf32, #tpu.memory_space<vmem>>, vector<2048x256xf32>,
    return
  }
}

</mosaic_0001>

<sc_bundles>
// kernel: kernel.10.cloned.1.call-start
scs
__scs_entry_jumppad:
0x0: {  	(pc) =	sbr.rel $0x88, $3  }
0x1: {  	(tag) =	ssettag $0x0;
	lr =	simm.s32 $0x1  }
0x2: {  	[smem:$0x3F9D] =	sst lr;
	_ =	strace $0xD0000000  }
0x3: {  	_ = 	snop  }
0x4: {  	_ = 	snop  }
0x5: {  	_ = 	snop  }
0x6: {  	_ = 	snop  }
0x7: {  	_ = 	snop  }
__scs_overlays_trampoline_lowered:
0x8: {  	[smem:$0x3FAC] =	sst s0  }
0x9: {  	[smem:$0x3FAD] =	sst s1  }
0xa: {  	[smem:$0x3FAE] =	sst s2  }
0xb: {  	[smem:$0x3FAF] =	sst s3  }
0xc: {  	[smem:$0x3FB0] =	sst s4  }
0xd: {  	[smem:$0x3FB1] =	sst s5  }
0xe: {  	[smem:$0x3FB2] =	sst s6  }
0xf: {  	[smem:$0x3FB3] =	sst s7  }
0x10: {  	[smem:$0x3FB4] =	sst s8  }
0x11: {  	[smem:$0x3FB5] =	sst s9;
	s0 =	simm.s32 @!p0 $0x0  }
0x12: {  	s1 =	sld [smem:$0x3F9B];
	s0 =	simm.s32 @p0 $0x1  }
0x13: {  	[smem:$0x3FB6] =	sst s0;
	s0 =	simm.s32 @!p1 $0x0  }
0x14: {  	s2 =	sld [smem:$0x3F9A];
	s0 =	simm.s32 @p1 $0x1  }
0x15: {  	[smem:$0x3FB7] =	sst s0;
	s0 =	simm.s32 @!p2 $0x0  }
0x16: {  	s3 =	sld [smem:$0x3FDB];
	s0 =	simm.s32 @p2 $0x1  }
0x17: {  	s4 =	simm.s32 $0x1BF5;
	[smem:$0x3FB9] =	sst s0  }
0x18: {  	s0 =	sld [smem:$0x3F9C];
	_ =	swait.ge [sflag:s4], $0x0  }
0x19: {  	s7 =	sld [smem:$0x3F9D]  }
0x1a: {  	s8 =	sadd.s32 $0xFFFFE003, lr  }
0x1b: {  	s9 =	sadd.s32 $0xFFFFFEF7, lr;
	s5 =	simm.s32 $0xFFFFFFFF;
	p2 =	slt.u32 s8, $0xFFFFF086  }
0x1c: {  	p1 =	slt.u32 s9, $0xF7A;
	s5 =	simm.s32 @!p2 $0x0  }
0x1d: {  	s5 =	simm.s32 @p1 $0x1;
	p0 =	seq.s32 s7, s2  }
0x1e: {  	s7 =	smul.u32 @!p0 $0xF7A, s2;
	p2 =	seq.s32 @!p0 s5, $0x0  }
0x1f: {  	s9 =	smul.u32 $0xF7A, s1;
	s8 =	simm.s32 @!p0 $0x1BF5;
	p2 =	por !p2, p0  }
0x20: {  	[sflag:s8] =	ssyncset.s32 @!p0 $0xFFFFF086;
	s6 =	sadd.s32 @!p0 s3, s7;
	s7 =	simm.s32 @!p0 $0x108  }
0x21: {  	s3 =	sadd.s32 s3, s9;
	s6 =	sadd.s32 @!p0 $0x88, s6;
	s7 =	simm.s32 @p2 $0x1082  }
0x22: {  	[simem:s7], [sflag:s8] =	dma.local @!p0 [hbm:s6], $0xF7A  }
0x23: {  	s9 =	sor.u32 $0xD0000000, s2;
	s6 =	simm.s32 $0x108;
	_ =	swait.ge @!p0 [sflag:s8], $0x0  }
0x24: {  	s3 =	sadd.s32 $0x88, s3;
	s6 =	simm.s32 @!p1 $0x1082;
	[sflag:s4] =	ssyncset.s32 $0xFFFFF086  }
0x25: {  	[simem:s6], [sflag:s4] =	dma.local [hbm:s3], $0xF7A  }
0x26: {  	[smem:$0x3F9D] =	sst s1;
	(tag) =	ssettag s2;
	_ =	strace s9  }
0x27: {  	s1 =	sld [smem:$0x3FAD]  }
0x28: {  	s2 =	sld [smem:$0x3FAE]  }
0x29: {  	s4 =	sld [smem:$0x3FB0]  }
0x2a: {  	p0 =	seq.s32 s5, $0x0;
	s5 =	sld [smem:$0x3FB1]  }
0x2b: {  	s6 =	sld [smem:$0x3FB2]  }
0x2c: {  	s7 =	sld [smem:$0x3FB3]  }
0x2d: {  	s3 =	simm.s32 $0x108;
	s8 =	sld [smem:$0x3FB4]  }
0x2e: {  	s3 =	simm.s32 @!p0 $0x1082;
	s9 =	sld [smem:$0x3FB5]  }
0x2f: {  	lr =	sadd.s32 s0, s3;
	s0 =	sld [smem:$0x3FAC]  }
0x30: {  	s3 =	sld [smem:$0x3FAF]  }
0x31: {  	[smem:$0x3FB8] =	sst s10  }
0x32: {  	s10 =	sld [smem:$0x3FB6];
	_ =	sdelay $0x3  }
0x33: {  	p0 =	seq.s32 s10, $0x1;
	s10 =	sld [smem:$0x3FB8];
	_ =	sdelay $0x3  }
0x34: {  	[smem:$0x3FB8] =	sst s10  }
0x35: {  	s10 =	sld [smem:$0x3FB7];
	_ =	sdelay $0x3  }
0x36: {  	p1 =	seq.s32 s10, $0x1;
	s10 =	sld [smem:$0x3FB8];
	_ =	sdelay $0x3  }
0x37: {  	[smem:$0x3FB8] =	sst s10  }
0x38: {  	s10 =	sld [smem:$0x3FB9]  }
0x39: {  	_ = 	snop;
	(pc) =	sbr.ind lr, $3  }
0x3a: {  	_ = 	snop  }
0x3b: {  	_ = 	snop  }
0x3c: {  	p2 =	seq.s32 s10, $0x1;
	s10 =	sld [smem:$0x3FB8]  }
0x3d: {  	_ =	shalt  }
0x3e: {  	_ =	shalt  }
0x3f: {  	_ =	shalt  }
0x40: {  	_ =	shalt  }
0x41: {  	_ =	shalt  }
0x42: {  	_ =	shalt  }
0x43: {  	_ =	shalt  }
0x44: {  	_ =	shalt  }
0x45: {  	_ =	shalt  }
0x46: {  	_ =	shalt  }
0x47: {  	_ =	shalt  }
0x48: {  	_ =	shalt  }
0x49: {  	_ =	shalt  }
0x4a: {  	_ =	shalt  }
0x4b: {  	_ =	shalt  }
0x4c: {  	_ =	shalt  }
0x4d: {  	_ =	shalt  }
0x4e: {  	_ =	shalt  }
0x4f: {  	_ =	shalt  }
0x50: {  	_ =	shalt  }
0x51: {  	_ =	shalt  }
0x52: {  	_ =	shalt  }
0x53: {  	_ =	shalt  }
0x54: {  	_ =	shalt  }
0x55: {  	_ =	shalt  }
0x56: {  	_ =	shalt  }
0x57: {  	_ =	shalt  }
0x58: {  	_ =	shalt  }
0x59: {  	_ =	shalt  }
0x5a: {  	_ =	shalt  }
0x5b: {  	_ =	shalt  }
0x5c: {  	_ =	shalt  }
0x5d: {  	_ =	shalt  }
0x5e: {  	_ =	shalt  }
0x5f: {  	_ =	shalt  }
0x60: {  	_ =	shalt  }
0x61: {  	_ =	shalt  }
0x62: {  	_ =	shalt  }
0x63: {  	_ =	shalt  }
0x64: {  	_ =	shalt  }
0x65: {  	_ =	shalt  }
0x66: {  	_ =	shalt  }
0x67: {  	_ =	shalt  }
0x68: {  	_ =	shalt  }
0x69: {  	_ =	shalt  }
0x6a: {  	_ =	shalt  }
0x6b: {  	_ =	shalt  }
0x6c: {  	_ =	shalt  }
0x6d: {  	_ =	shalt  }
0x6e: {  	_ =	shalt  }
0x6f: {  	_ =	shalt  }
0x70: {  	_ =	shalt  }
0x71: {  	_ =	shalt  }
0x72: {  	_ =	shalt  }
0x73: {  	_ =	shalt  }
0x74: {  	_ =	shalt  }
0x75: {  	_ =	shalt  }
0x76: {  	_ =	shalt  }
0x77: {  	_ =	shalt  }
0x78: {  	_ =	shalt  }
0x79: {  	_ =	shalt  }
0x7a: {  	_ =	shalt  }
0x7b: {  	_ =	shalt  }
0x7c: {  	_ =	shalt  }
0x7d: {  	_ =	shalt  }
0x7e: {  	_ =	shalt  }
0x7f: {  	_ =	shalt  }
0x80: {  	_ =	shalt  }
0x81: {  	_ =	shalt  }
0x82: {  	_ =	shalt  }
0x83: {  	_ =	shalt  }
0x84: {  	_ =	shalt  }
0x85: {  	_ =	shalt  }
0x86: {  	_ =	shalt  }
0x87: {  	_ =	shalt  }
.Lfunc_end0:
.L_simem_size_0:
called_computation.1_lowered:
.L_overlay_start_0:
0x88: {  	s2 =	sld [smem:$0x3FD9]  }
0x89: {  	s3 =	sld [smem:$0x3FFE];
	_ =	sdelay $0x1  }
0x8a: {  	s1 =	srdreg.scid  }
0x8b: {  	s0 =	sand.u32 $0x1, s1  }
0x8c: {  	s14 =	sshll.u32 s0, $0xA;
	s2 =	sadd.s32 s3, s2  }
0x8d: {  	s2 =	sadd.s32 s2, s14  }
0x8e: {  	[smem:$0x3FC4] =	sst s2  }
0x8f: {  	_ = 	snop  }
0x90: {  	s2 =	sld [smem:$0x3FD0];
	_ =	sdelay $0x2  }
0x91: {  	s15 =	simm.s32 $0xA;
	s4 =	simm.s32 $0x10  }
0x92: {  	[smem:s4], [sflag:s15] =	dma.local [hbm:s2], $0x1  }
0x93: {  	_ =	swait.eq [sflag:s15], $0x1  }
0x94: {  	[sflag:s15] =	ssyncset.done $0x0  }
0x95: {  	[sflag:s15] =	ssyncadd.s32 $0xFFFFFFFF  }
0x96: {  	s16 =	sld [smem:$0x10];
	(tm) =	ssettm $0x1  }
0x97: {  	s17 =	sld [smem:$0x3FFB];
	_ =	sdelay $0x3  }
0x98: {  	_ =	strace s17  }
0x99: {  	s3 =	sld [smem:$0x3FFC];
	_ =	sdelay $0x3  }
0x9a: {  	_ =	strace s3  }
0x9b: {  	s3 =	sld [smem:$0x3FFD];
	_ =	sdelay $0x3  }
0x9c: {  	_ =	strace s3  }
0x9d: {  	_ =	strace $0x8FFFFFFF  }
0x9e: {  	s18 =	sld [smem:$0x3FDB];
	_ =	sdelay $0x1  }
0x9f: {  	s19 =	simm.s32 $_scs_section_size  }
0xa0: {  	s5 =	simm.s32 $_size__tile_overlayer_lowered;
	s6 =	simm.s32 $_tile_overlayer_lowered  }
0xa1: {  	s22 =	simm.s32 $0x1BFF;
	s21 =	sshll.u32 s6, $0x1;
	s3 =	sadd.s32 s19, s18  }
0xa2: {  	s7 =	simm.s32 $0x0;
	s20 =	sshll.u32 s5, $0x1;
	s5 =	sadd.s32 s21, s3  }
0xa3: {  	[timem:s7], [sflag:s22] =	dma.local [hbm:s5], s20  }
0xa4: {  	_ =	swait.ge [sflag:s22], s20  }
0xa5: {  	s4 =	ssub.s32 $0x0, s20;
	[sflag:s22] =	ssyncset.done $0x0  }
0xa6: {  	[sflag:s22] =	ssyncadd.s32 s4;
	_ =	sdelay $0x1  }
0xa7: {  	s23 =	simm.s32 $0x1B8B  }
0xa8: {  	_ =	swait.ge [sflag:s23], $0x1  }
0xa9: {  	[sflag:s23] =	ssyncset.done $0x0  }
0xaa: {  	s25 =	simm.s32 $0x1B8E;
	s24 =	sld [smem:$0x3FFE];
	[sflag:s23] =	ssyncadd.s32 $0xFFFFFFFF  }
0xab: {  	s26 =	simm.s32 $execute0_lowered;
	[smem:$0x3FD2] =	sst s25  }
0xac: {  	s5 =	sshll.u32 s26, $0x1;
	_ =	strace $0x80000049;
	[dreg:$0x1] =	wrdreg $0xFFFFFFFF  }
0xad: {  	s28 =	simm.s32 $_size_execute0_lowered;
	s3 =	sadd.s32 s3, s5;
	[dreg:$0x0] =	wrdreg $0x0  }
0xae: {  	s5 =	sshll.u32 s28, $0x1;
	[dreg:$0x2] =	wrdreg s3  }
0xaf: {  	[dreg:$0x3] =	wrdreg s5  }
0xb0: {  	[dreg:$0x4] =	wrdreg $0xC0  }
0xb1: {  	_ =	task [dreg:s7], $0x5FFFF  }
0xb2: {  	[dreg:$0x1] =	wrdreg $0xFFFFFFFF  }
0xb3: {  	[dreg:$0x0] =	wrdreg $0x60  }
0xb4: {  	[dreg:$0x2] =	wrdreg s24  }
0xb5: {  	[dreg:$0x3] =	wrdreg s16  }
0xb6: {  	[dreg:$0x4] =	wrdreg $0x9  }
0xb7: {  	_ =	task.clear_ibuf [dreg:s7], $0x5FFFF;
	_ =	strace $0x90000049  }
0xb8: {  	s29 =	simm.s32 $0x9;
	_ =	strace $0x8000004B  }
0xb9: {  	_ =	swait.ge [sflag:s29], $0x1  }
0xba: {  	[sflag:s29] =	ssyncadd.s32 $0xFFFFFFFF  }
0xbb: {  	_ =	strace $0x9000004B  }
0xbc: {  	_ =	sfence  }
0xbd: {  	s30 =	sld [smem:$0x0];
	_ =	sdelay $0x2  }
0xbe: {  	s31 =	sshll.u32 s1, $0xD;
	s1 =	sshrl.u32 s1, $0x2  }
0xbf: {  	s3 =	sand.u32 $0x4000, s31;
	s1 =	sadd.s32 s1, s30  }
0xc0: {  	s0 =	sor.u32 s3, s0;
	s1 =	sshll.u32 s1, $0x11  }
0xc1: {  	s0 =	sor.u32 s1, s0  }
0xc2: {  	s0 =	sadd.s32 $0x8F2B, s0  }
0xc3: {  	[sflag:s0] =	ssyncadd.remote.s32 $0x1  }
0xc4: {  	_ =	sfence.sel $0xFFFF  }
0xc5: {  	[dreg:$0x0] =	wrdreg $0xFFFFFFFF;
	(pc) =	sbr.abs _section_cstart, $3  }
0xc6: {  	[dreg:$0x1] =	wrdreg $0xFFFFFFFF  }
0xc7: {  	_ =	task.clear_ibuf [dreg:s7], $0x2FFFF;
	_ =	strace $0x9FFFFFFF  }
0xc8: {  	(tm) =	ssettm $0x7FFFFFFF  }
0xc9: {  	_ =	shalt  }
tec
execute0_lowered:
.L_overlay_start_1:
0x0: {  	(tag) =	ssettag $0x1  }
0x1: {  	s4 =	rddreg [dreg:$0x0]  }
0x2: {  	s5 =	rddreg [dreg:$0x1]  }
0x3: {  	s0 =	rddreg [dreg:$0x2];
	s3 =	srdreg.scid  }
0x4: {  	s2 =	simm.s32 $0x0;
	s1 =	stileid.u32;
	s10 =	simm.s32 $0x1080  }
0x5: {  	s11 =	simm.s32 $0x1880;
	s12 =	simm.s32 $0x2080;
	s13 =	simm.s32 $0x2880  }
0x6: {  	s14 =	simm.s32 $0x3080;
	s15 =	simm.s32 $0x3880;
	s16 =	simm.s32 $0x4080  }
0x7: {  	s17 =	simm.s32 $0x4880;
	s18 =	simm.s32 $0x5080;
	s19 =	simm.s32 $0x5880  }
0x8: {  	s20 =	simm.s32 $0x6080;
	s21 =	simm.s32 $0x6880;
	s22 =	simm.s32 $0x7080  }
0x9: {  	s23 =	simm.s32 $0x7880;
	s24 =	simm.s32 $0x1;
	s3 =	sand.u32 $0x1, s3  }
0xa: {  	[smem:$0x7FF] =	sst s2;
	s6 =	sshll.u32 s1, $0x8;
	s7 =	sshll.u32 s3, $0x7  }
0xb: {  	_ =	strace $0x8000004A;
	s30 =	ssub.s32 $0x2, s3;
	s6 =	sor.u32 s7, s6  }
0xc: {  	s3 =	sadd.s32 $0x1000, s4;
	s9 =	sshrl.u32 s30, $0x1;
	s8 =	sshll.u32 s6, $0x5  }
0xd: {  	v2 =	vlaneseq.u32;
	s7 =	ssub.s32 s30, s9;
	s31 =	sshrl.u32 s6, $0x3;
	s9 =	simm.s32 $0x880  }
0xe: {  	vm0 =	vmmov $0xffff;
	v1 =	vshrl.u32 v2, $0x3;
	s8 =	sadd.s32 s8, s4;
	s4 =	sadd.s32 s5, s31;
	s6 =	smax.u32 s7, $0x1  }
0xf: {  	v0 =	vand.u32 $0x7, v2;
	v2 =	vor.u32 $0x8, v2;
	v1 =	vmul.u32 $0x8, v1;
	s7 =	simm.s32 $0x2;
	s5 =	sadd.s32 $0x40000, s8;
	s8 =	simm.s32 $0x80  }
.LBB2_1:
0x10: {  	[tilespmem:s2], [sflag:$0x2] =	stream.linear.gather [hbm4b:s4+s2], $0x80, $0x38;
	[tilespmem:$0x8080] =	vst v63  }
0x11: {  	_ =	swait.ge [sflag:s7], $0x80  }
0x12: {  	[sflag:s7] =	ssyncset.done $0x0  }
0x13: {  	[sflag:s7] =	ssyncadd.s32 $0xFFFFFF80  }
0x14: {  	v3 =	vld [tilespmem:$0x0];
	_ =	sdelay $0x4  }
0x15: {  	v4 =	vshll.u32 v3, $0x1  }
0x16: {  	v3 =	vand.u32 $0x7, v3;
	v4 =	vand.u32 $0xFFFFFFF0, v4  }
0x17: {  	v3 =	vor.u32 v3, v4  }
0x18: {  	v4 =	vperm.xlane v3, v0;
	_ =	sdelay $0x1  }
0x19: {  	v3 =	vperm.xlane v3, v2;
	v4 =	vadd.s32 v1, v4;
	_ =	sdelay $0x1  }
0x1a: {  	v3 =	vadd.s32 v1, v3;
	_ =	sdelay $0x2  }
0x1b: {  	[tilespmem:s8], [sflag:$0x1] =	stream.indirect_vreg.gather [hbm4b:s3+s2], $0x80, v4, vm0, $0xb8;
	[tilespmem:$0x8080] =	vst v63  }
0x1c: {  	_ = 	snop  }
0x1d: {  	[tilespmem:s9], [sflag:$0x1] =	stream.indirect_vreg.gather [hbm4b:s3+s2], $0x80, v3, vm0, $0xb8;
	[tilespmem:$0x8080] =	vst v63  }
0x1e: {  	v3 =	vld [tilespmem:$0x10];
	_ =	sdelay $0x4  }
0x1f: {  	v57 =	vshll.u32 v3, $0x1  }
0x20: {  	v3 =	vand.u32 $0x7, v3;
	v4 =	vand.u32 $0xFFFFFFF0, v57  }
0x21: {  	v3 =	vor.u32 v3, v4  }
0x22: {  	v4 =	vperm.xlane v3, v0;
	_ =	sdelay $0x1  }
0x23: {  	v3 =	vperm.xlane v3, v2;
	v4 =	vadd.s32 v1, v4;
	_ =	sdelay $0x1  }
0x24: {  	v3 =	vadd.s32 v1, v3;
	_ =	sdelay $0x2  }
0x25: {  	[tilespmem:s10], [sflag:$0x1] =	stream.indirect_vreg.gather [hbm4b:s3+s2], $0x80, v4, vm0, $0xb8;
	[tilespmem:$0x8080] =	vst v63  }
0x26: {  	_ = 	snop  }
0x27: {  	[tilespmem:s11], [sflag:$0x1] =	stream.indirect_vreg.gather [hbm4b:s3+s2], $0x80, v3, vm0, $0xb8;
	[tilespmem:$0x8080] =	vst v63  }
0x28: {  	v3 =	vld [tilespmem:$0x20];
	_ =	sdelay $0x4  }
0x29: {  	v58 =	vshll.u32 v3, $0x1  }
0x2a: {  	v3 =	vand.u32 $0x7, v3;
	v4 =	vand.u32 $0xFFFFFFF0, v58  }
0x2b: {  	v3 =	vor.u32 v3, v4  }
0x2c: {  	v4 =	vperm.xlane v3, v0;
	_ =	sdelay $0x1  }
0x2d: {  	v3 =	vperm.xlane v3, v2;
	v4 =	vadd.s32 v1, v4;
	_ =	sdelay $0x1  }
0x2e: {  	v3 =	vadd.s32 v1, v3;
	_ =	sdelay $0x2  }
0x2f: {  	[tilespmem:s12], [sflag:$0x1] =	stream.indirect_vreg.gather [hbm4b:s3+s2], $0x80, v4, vm0, $0xb8;
	[tilespmem:$0x8080] =	vst v63  }
0x30: {  	_ = 	snop  }
0x31: {  	[tilespmem:s13], [sflag:$0x1] =	stream.indirect_vreg.gather [hbm4b:s3+s2], $0x80, v3, vm0, $0xb8;
	[tilespmem:$0x8080] =	vst v63  }
0x32: {  	v3 =	vld [tilespmem:$0x30];
	_ =	sdelay $0x4  }
0x33: {  	v59 =	vshll.u32 v3, $0x1  }
0x34: {  	v3 =	vand.u32 $0x7, v3;
	v4 =	vand.u32 $0xFFFFFFF0, v59  }
0x35: {  	v3 =	vor.u32 v3, v4  }
0x36: {  	v4 =	vperm.xlane v3, v0;
	_ =	sdelay $0x1  }
0x37: {  	v3 =	vperm.xlane v3, v2;
	v4 =	vadd.s32 v1, v4;
	_ =	sdelay $0x1  }
0x38: {  	v3 =	vadd.s32 v1, v3;
	_ =	sdelay $0x2  }
0x39: {  	[tilespmem:s14], [sflag:$0x1] =	stream.indirect_vreg.gather [hbm4b:s3+s2], $0x80, v4, vm0, $0xb8;
	[tilespmem:$0x8080] =	vst v63  }
0x3a: {  	_ = 	snop  }
0x3b: {  	[tilespmem:s15], [sflag:$0x1] =	stream.indirect_vreg.gather [hbm4b:s3+s2], $0x80, v3, vm0, $0xb8;
	[tilespmem:$0x8080] =	vst v63  }
0x3c: {  	v3 =	vld [tilespmem:$0x40];
	_ =	sdelay $0x4  }
0x3d: {  	v60 =	vshll.u32 v3, $0x1  }
0x3e: {  	v3 =	vand.u32 $0x7, v3;
	v4 =	vand.u32 $0xFFFFFFF0, v60  }
0x3f: {  	v3 =	vor.u32 v3, v4  }
0x40: {  	v4 =	vperm.xlane v3, v0;
	_ =	sdelay $0x1  }
0x41: {  	v3 =	vperm.xlane v3, v2;
	v4 =	vadd.s32 v1, v4;
	_ =	sdelay $0x1  }
0x42: {  	v3 =	vadd.s32 v1, v3;
	_ =	sdelay $0x2  }
0x43: {  	[tilespmem:s16], [sflag:$0x1] =	stream.indirect_vreg.gather [hbm4b:s3+s2], $0x80, v4, vm0, $0xb8;
	[tilespmem:$0x8080] =	vst v63  }
0x44: {  	_ = 	snop  }
0x45: {  	[tilespmem:s17], [sflag:$0x1] =	stream.indirect_vreg.gather [hbm4b:s3+s2], $0x80, v3, vm0, $0xb8;
	[tilespmem:$0x8080] =	vst v63  }
0x46: {  	v3 =	vld [tilespmem:$0x50];
	_ =	sdelay $0x4  }
0x47: {  	v61 =	vshll.u32 v3, $0x1  }
0x48: {  	v3 =	vand.u32 $0x7, v3;
	v4 =	vand.u32 $0xFFFFFFF0, v61  }
0x49: {  	v3 =	vor.u32 v3, v4  }
0x4a: {  	v4 =	vperm.xlane v3, v0;
	_ =	sdelay $0x1  }
0x4b: {  	v3 =	vperm.xlane v3, v2;
	v4 =	vadd.s32 v1, v4;
	_ =	sdelay $0x1  }
0x4c: {  	v3 =	vadd.s32 v1, v3;
	_ =	sdelay $0x2  }
0x4d: {  	[tilespmem:s18], [sflag:$0x1] =	stream.indirect_vreg.gather [hbm4b:s3+s2], $0x80, v4, vm0, $0xb8;
	[tilespmem:$0x8080] =	vst v63  }
0x4e: {  	_ = 	snop  }
0x4f: {  	[tilespmem:s19], [sflag:$0x1] =	stream.indirect_vreg.gather [hbm4b:s3+s2], $0x80, v3, vm0, $0xb8;
	[tilespmem:$0x8080] =	vst v63  }
0x50: {  	v3 =	vld [tilespmem:$0x60];
	_ =	sdelay $0x4  }
0x51: {  	v62 =	vshll.u32 v3, $0x1  }
0x52: {  	v3 =	vand.u32 $0x7, v3;
	v4 =	vand.u32 $0xFFFFFFF0, v62  }
0x53: {  	v3 =	vor.u32 v3, v4  }
0x54: {  	v4 =	vperm.xlane v3, v0;
	_ =	sdelay $0x1  }
0x55: {  	v3 =	vperm.xlane v3, v2;
	v4 =	vadd.s32 v1, v4;
	_ =	sdelay $0x1  }
0x56: {  	v3 =	vadd.s32 v1, v3;
	_ =	sdelay $0x2  }
0x57: {  	[tilespmem:s20], [sflag:$0x1] =	stream.indirect_vreg.gather [hbm4b:s3+s2], $0x80, v4, vm0, $0xb8;
	[tilespmem:$0x8080] =	vst v63  }
0x58: {  	_ = 	snop  }
0x59: {  	[tilespmem:s21], [sflag:$0x1] =	stream.indirect_vreg.gather [hbm4b:s3+s2], $0x80, v3, vm0, $0xb8;
	[tilespmem:$0x8080] =	vst v63  }
0x5a: {  	v3 =	vld [tilespmem:$0x70];
	_ =	sdelay $0x4  }
0x5b: {  	v63 =	vshll.u32 v3, $0x1  }
0x5c: {  	v3 =	vand.u32 $0x7, v3;
	v4 =	vand.u32 $0xFFFFFFF0, v63  }
0x5d: {  	v3 =	vor.u32 v3, v4  }
0x5e: {  	v4 =	vperm.xlane v3, v0;
	_ =	sdelay $0x1  }
0x5f: {  	v3 =	vperm.xlane v3, v2;
	v4 =	vadd.s32 v1, v4;
	_ =	sdelay $0x1  }
0x60: {  	v3 =	vadd.s32 v1, v3;
	_ =	sdelay $0x2  }
0x61: {  	[tilespmem:s22], [sflag:$0x1] =	stream.indirect_vreg.gather [hbm4b:s3+s2], $0x80, v4, vm0, $0xb8;
	[tilespmem:$0x8080] =	vst v63  }
0x62: {  	_ = 	snop  }
0x63: {  	[tilespmem:s23], [sflag:$0x1] =	stream.indirect_vreg.gather [hbm4b:s3+s2], $0x80, v3, vm0, $0xb8;
	[tilespmem:$0x8080] =	vst v63  }
0x64: {  	_ =	swait.ge [sflag:s24], $0x8000  }
0x65: {  	p0 =	sne.s32 s6, $0x1;
	[sflag:s24] =	ssyncset.done $0x0  }
.Ltmp0:
0x66: {  	[sflag:s24] =	ssyncadd.s32 $0xFFFF8000;
	(pc) =	sbr.rel @p0 .LBB2_1-.Ltmp0, $4  }
0x67: {  	[hbm4b:s5+s2] =	stream.linear.scatter [tilespmem:s8], [sflag:$0x2], $0x8000, $0x38;
	[tilespmem:$0x8080] =	vst v63  }
0x68: {  	_ =	swait.ge [sflag:s7], $0x8000  }
0x69: {  	[sflag:s7] =	ssyncset.done $0x0  }
0x6a: {  	s6 =	sadd.s32 $0xFFFFFFFF, s6;
	[sflag:s7] =	ssyncadd.s32 $0xFFFF8000  }
0x6b: {  	_ =	sfence.sel $0x180000  }
0x6c: {  	[bflag:$0x0] =	sbarrier.arrive $0xFFFF  }
0x6d: {  	p0 =	sne.s32 s1, $0x0;
	_ =	strace $0x9000004A  }
0x6e: {  	s0 =	sadd.s32 @!p0 $0x100000, s0;
	[bflag:$0x2] =	sbarrier.arrive $0xFFFF  }
0x6f: {  	[sflag:s0] =	ssyncadd.tile.s32 @!p0 $0x1;
	_ =	shalt  }
.Lfunc_end2:
_tile_overlayer_lowered:
.L_overlay_start_2:
0x70: {  	(tag) =	ssettag $0x2  }
0x71: {  	s0 =	rddreg [dreg:$0x0];
	s2 =	stileid.u32  }
0x72: {  	s1 =	rddreg [dreg:$0x1];
	p0 =	sne.s32 s2, $0x0  }
0x73: {  	s3 =	rddreg [dreg:$0x2];
	[bflag:$0x3] =	sbarrier.arrive $0xFFFF;
	s2 =	simm.s32 @!p0 $0x1C02  }
0x74: {  	[timem:s3], [sflag:s2] =	dma.local @!p0 [hbm:s0], s1  }
0x75: {  	s0 =	simm.s32 @!p0 $0x2  }
0x76: {  	_ =	swait.ge @!p0 [sflag:s0], s1  }
0x77: {  	s1 =	ssub.s32 @!p0 $0x0, s1;
	[sflag:s0] =	ssyncset.done @!p0 $0x0  }
0x78: {  	[sflag:s0] =	ssyncadd.s32 @!p0 s1  }
0x79: {  	[bflag:$0x3] =	sbarrier.arrive $0xFFFF  }
0x7a: {  	_ =	shalt  }

// kernel: kernel.7.cloned.1.call-start
scs
__scs_entry_jumppad:
0x0: {  	(pc) =	sbr.rel $0x88, $3  }
0x1: {  	(tag) =	ssettag $0x0;
	lr =	simm.s32 $0x1  }
0x2: {  	[smem:$0x3F9D] =	sst lr;
	_ =	strace $0xD0000000  }
0x3: {  	_ = 	snop  }
0x4: {  	_ = 	snop  }
0x5: {  	_ = 	snop  }
0x6: {  	_ = 	snop  }
0x7: {  	_ = 	snop  }
__scs_overlays_trampoline_lowered:
0x8: {  	[smem:$0x3FAC] =	sst s0  }
0x9: {  	[smem:$0x3FAD] =	sst s1  }
0xa: {  	[smem:$0x3FAE] =	sst s2  }
0xb: {  	[smem:$0x3FAF] =	sst s3  }
0xc: {  	[smem:$0x3FB0] =	sst s4  }
0xd: {  	[smem:$0x3FB1] =	sst s5  }
0xe: {  	[smem:$0x3FB2] =	sst s6  }
0xf: {  	[smem:$0x3FB3] =	sst s7  }
0x10: {  	[smem:$0x3FB4] =	sst s8  }
0x11: {  	[smem:$0x3FB5] =	sst s9;
	s0 =	simm.s32 @!p0 $0x0  }
0x12: {  	s1 =	sld [smem:$0x3F9B];
	s0 =	simm.s32 @p0 $0x1  }
0x13: {  	[smem:$0x3FB6] =	sst s0;
	s0 =	simm.s32 @!p1 $0x0  }
0x14: {  	s2 =	sld [smem:$0x3F9A];
	s0 =	simm.s32 @p1 $0x1  }
0x15: {  	[smem:$0x3FB7] =	sst s0;
	s0 =	simm.s32 @!p2 $0x0  }
0x16: {  	s3 =	sld [smem:$0x3FDB];
	s0 =	simm.s32 @p2 $0x1  }
0x17: {  	s4 =	simm.s32 $0x1BF5;
	[smem:$0x3FB9] =	sst s0  }
0x18: {  	s0 =	sld [smem:$0x3F9C];
	_ =	swait.ge [sflag:s4], $0x0  }
0x19: {  	s7 =	sld [smem:$0x3F9D]  }
0x1a: {  	s8 =	sadd.s32 $0xFFFFE003, lr  }
0x1b: {  	s9 =	sadd.s32 $0xFFFFFEF7, lr;
	s5 =	simm.s32 $0xFFFFFFFF;
	p2 =	slt.u32 s8, $0xFFFFF086  }
0x1c: {  	p1 =	slt.u32 s9, $0xF7A;
	s5 =	simm.s32 @!p2 $0x0  }
0x1d: {  	s5 =	simm.s32 @p1 $0x1;
	p0 =	seq.s32 s7, s2  }
0x1e: {  	s7 =	smul.u32 @!p0 $0xF7A, s2;
	p2 =	seq.s32 @!p0 s5, $0x0  }
0x1f: {  	s9 =	smul.u32 $0xF7A, s1;
	s8 =	simm.s32 @!p0 $0x1BF5;
	p2 =	por !p2, p0  }
0x20: {  	[sflag:s8] =	ssyncset.s32 @!p0 $0xFFFFF086;
	s6 =	sadd.s32 @!p0 s3, s7;
	s7 =	simm.s32 @!p0 $0x108  }
0x21: {  	s3 =	sadd.s32 s3, s9;
	s6 =	sadd.s32 @!p0 $0x88, s6;
	s7 =	simm.s32 @p2 $0x1082  }
0x22: {  	[simem:s7], [sflag:s8] =	dma.local @!p0 [hbm:s6], $0xF7A  }
0x23: {  	s9 =	sor.u32 $0xD0000000, s2;
	s6 =	simm.s32 $0x108;
	_ =	swait.ge @!p0 [sflag:s8], $0x0  }
0x24: {  	s3 =	sadd.s32 $0x88, s3;
	s6 =	simm.s32 @!p1 $0x1082;
	[sflag:s4] =	ssyncset.s32 $0xFFFFF086  }
0x25: {  	[simem:s6], [sflag:s4] =	dma.local [hbm:s3], $0xF7A  }
0x26: {  	[smem:$0x3F9D] =	sst s1;
	(tag) =	ssettag s2;
	_ =	strace s9  }
0x27: {  	s1 =	sld [smem:$0x3FAD]  }
0x28: {  	s2 =	sld [smem:$0x3FAE]  }
0x29: {  	s4 =	sld [smem:$0x3FB0]  }
0x2a: {  	p0 =	seq.s32 s5, $0x0;
	s5 =	sld [smem:$0x3FB1]  }
0x2b: {  	s6 =	sld [smem:$0x3FB2]  }
0x2c: {  	s7 =	sld [smem:$0x3FB3]  }
0x2d: {  	s3 =	simm.s32 $0x108;
	s8 =	sld [smem:$0x3FB4]  }
0x2e: {  	s3 =	simm.s32 @!p0 $0x1082;
	s9 =	sld [smem:$0x3FB5]  }
0x2f: {  	lr =	sadd.s32 s0, s3;
	s0 =	sld [smem:$0x3FAC]  }
0x30: {  	s3 =	sld [smem:$0x3FAF]  }
0x31: {  	[smem:$0x3FB8] =	sst s10  }
0x32: {  	s10 =	sld [smem:$0x3FB6];
	_ =	sdelay $0x3  }
0x33: {  	p0 =	seq.s32 s10, $0x1;
	s10 =	sld [smem:$0x3FB8];
	_ =	sdelay $0x3  }
0x34: {  	[smem:$0x3FB8] =	sst s10  }
0x35: {  	s10 =	sld [smem:$0x3FB7];
	_ =	sdelay $0x3  }
0x36: {  	p1 =	seq.s32 s10, $0x1;
	s10 =	sld [smem:$0x3FB8];
	_ =	sdelay $0x3  }
0x37: {  	[smem:$0x3FB8] =	sst s10  }
0x38: {  	s10 =	sld [smem:$0x3FB9]  }
0x39: {  	_ = 	snop;
	(pc) =	sbr.ind lr, $3  }
0x3a: {  	_ = 	snop  }
0x3b: {  	_ = 	snop  }
0x3c: {  	p2 =	seq.s32 s10, $0x1;
	s10 =	sld [smem:$0x3FB8]  }
0x3d: {  	_ =	shalt  }
0x3e: {  	_ =	shalt  }
0x3f: {  	_ =	shalt  }
0x40: {  	_ =	shalt  }
0x41: {  	_ =	shalt  }
0x42: {  	_ =	shalt  }
0x43: {  	_ =	shalt  }
0x44: {  	_ =	shalt  }
0x45: {  	_ =	shalt  }
0x46: {  	_ =	shalt  }
0x47: {  	_ =	shalt  }
0x48: {  	_ =	shalt  }
0x49: {  	_ =	shalt  }
0x4a: {  	_ =	shalt  }
0x4b: {  	_ =	shalt  }
0x4c: {  	_ =	shalt  }
0x4d: {  	_ =	shalt  }
0x4e: {  	_ =	shalt  }
0x4f: {  	_ =	shalt  }
0x50: {  	_ =	shalt  }
0x51: {  	_ =	shalt  }
0x52: {  	_ =	shalt  }
0x53: {  	_ =	shalt  }
0x54: {  	_ =	shalt  }
0x55: {  	_ =	shalt  }
0x56: {  	_ =	shalt  }
0x57: {  	_ =	shalt  }
0x58: {  	_ =	shalt  }
0x59: {  	_ =	shalt  }
0x5a: {  	_ =	shalt  }
0x5b: {  	_ =	shalt  }
0x5c: {  	_ =	shalt  }
0x5d: {  	_ =	shalt  }
0x5e: {  	_ =	shalt  }
0x5f: {  	_ =	shalt  }
0x60: {  	_ =	shalt  }
0x61: {  	_ =	shalt  }
0x62: {  	_ =	shalt  }
0x63: {  	_ =	shalt  }
0x64: {  	_ =	shalt  }
0x65: {  	_ =	shalt  }
0x66: {  	_ =	shalt  }
0x67: {  	_ =	shalt  }
0x68: {  	_ =	shalt  }
0x69: {  	_ =	shalt  }
0x6a: {  	_ =	shalt  }
0x6b: {  	_ =	shalt  }
0x6c: {  	_ =	shalt  }
0x6d: {  	_ =	shalt  }
0x6e: {  	_ =	shalt  }
0x6f: {  	_ =	shalt  }
0x70: {  	_ =	shalt  }
0x71: {  	_ =	shalt  }
0x72: {  	_ =	shalt  }
0x73: {  	_ =	shalt  }
0x74: {  	_ =	shalt  }
0x75: {  	_ =	shalt  }
0x76: {  	_ =	shalt  }
0x77: {  	_ =	shalt  }
0x78: {  	_ =	shalt  }
0x79: {  	_ =	shalt  }
0x7a: {  	_ =	shalt  }
0x7b: {  	_ =	shalt  }
0x7c: {  	_ =	shalt  }
0x7d: {  	_ =	shalt  }
0x7e: {  	_ =	shalt  }
0x7f: {  	_ =	shalt  }
0x80: {  	_ =	shalt  }
0x81: {  	_ =	shalt  }
0x82: {  	_ =	shalt  }
0x83: {  	_ =	shalt  }
0x84: {  	_ =	shalt  }
0x85: {  	_ =	shalt  }
0x86: {  	_ =	shalt  }
0x87: {  	_ =	shalt  }
.Lfunc_end0:
.L_simem_size_0:
called_computation_lowered:
.L_overlay_start_0:
0x88: {  	s2 =	sld [smem:$0x3FD9]  }
0x89: {  	s3 =	sld [smem:$0x3FFE];
	_ =	sdelay $0x1  }
0x8a: {  	s1 =	srdreg.scid  }
0x8b: {  	s0 =	sand.u32 $0x1, s1  }
0x8c: {  	s14 =	sshll.u32 s0, $0xA;
	s2 =	sadd.s32 s3, s2  }
0x8d: {  	s2 =	sadd.s32 s2, s14  }
0x8e: {  	[smem:$0x3FC4] =	sst s2  }
0x8f: {  	_ = 	snop  }
0x90: {  	s2 =	sld [smem:$0x3FD0];
	_ =	sdelay $0x2  }
0x91: {  	s4 =	simm.s32 $0xA;
	s5 =	simm.s32 $0x10;
	s15 =	sld [smem:$0x3FC9]  }
0x92: {  	[smem:s5], [sflag:s4] =	dma.local [hbm:s2], $0x1  }
0x93: {  	_ =	swait.eq [sflag:s4], $0x1  }
0x94: {  	[sflag:s4] =	ssyncset.done $0x0  }
0x95: {  	[sflag:s4] =	ssyncadd.s32 $0xFFFFFFFF  }
0x96: {  	s16 =	sld [smem:$0x10];
	(tm) =	ssettm $0x1  }
0x97: {  	s17 =	sld [smem:$0x3FFB];
	_ =	sdelay $0x3  }
0x98: {  	_ =	strace s17  }
0x99: {  	s4 =	sld [smem:$0x3FFC];
	_ =	sdelay $0x3  }
0x9a: {  	_ =	strace s4  }
0x9b: {  	s4 =	sld [smem:$0x3FFD];
	_ =	sdelay $0x3  }
0x9c: {  	_ =	strace s4  }
0x9d: {  	_ =	strace $0x8FFFFFFF  }
0x9e: {  	s18 =	sld [smem:$0x3FDB];
	_ =	sdelay $0x1  }
0x9f: {  	s19 =	simm.s32 $_scs_section_size  }
0xa0: {  	s6 =	simm.s32 $_size__tile_overlayer_lowered;
	s7 =	simm.s32 $_tile_overlayer_lowered  }
0xa1: {  	s22 =	simm.s32 $0x1BFF;
	s21 =	sshll.u32 s7, $0x1;
	s4 =	sadd.s32 s19, s18  }
0xa2: {  	s8 =	simm.s32 $0x0;
	s20 =	sshll.u32 s6, $0x1;
	s6 =	sadd.s32 s21, s4  }
0xa3: {  	[timem:s8], [sflag:s22] =	dma.local [hbm:s6], s20  }
0xa4: {  	_ =	swait.ge [sflag:s22], s20  }
0xa5: {  	s5 =	ssub.s32 $0x0, s20;
	[sflag:s22] =	ssyncset.done $0x0  }
0xa6: {  	[sflag:s22] =	ssyncadd.s32 s5;
	_ =	sdelay $0x1  }
0xa7: {  	s23 =	simm.s32 $0x1B8B  }
0xa8: {  	_ =	swait.ge [sflag:s23], $0x1  }
0xa9: {  	[sflag:s23] =	ssyncset.done $0x0  }
0xaa: {  	s25 =	simm.s32 $0x1B8E;
	s24 =	sld [smem:$0x3FFE];
	[sflag:s23] =	ssyncadd.s32 $0xFFFFFFFF  }
0xab: {  	s26 =	simm.s32 $execute0_lowered;
	[smem:$0x3FD2] =	sst s25  }
0xac: {  	s6 =	sshll.u32 s26, $0x1;
	_ =	strace $0x80000046;
	[dreg:$0x1] =	wrdreg $0xFFFFFFFF  }
0xad: {  	s28 =	simm.s32 $_size_execute0_lowered;
	s4 =	sadd.s32 s4, s6;
	[dreg:$0x0] =	wrdreg $0x0  }
0xae: {  	s6 =	sshll.u32 s28, $0x1;
	[dreg:$0x2] =	wrdreg s4  }
0xaf: {  	[dreg:$0x3] =	wrdreg s6  }
0xb0: {  	[dreg:$0x4] =	wrdreg $0xC0  }
0xb1: {  	_ =	task [dreg:s8], $0x5FFFF  }
0xb2: {  	[dreg:$0x1] =	wrdreg $0xFFFFFFFF  }
0xb3: {  	[dreg:$0x0] =	wrdreg $0x60  }
0xb4: {  	[dreg:$0x2] =	wrdreg s15  }
0xb5: {  	[dreg:$0x3] =	wrdreg s16  }
0xb6: {  	[dreg:$0x4] =	wrdreg s24  }
0xb7: {  	[dreg:$0x5] =	wrdreg $0x9  }
0xb8: {  	_ =	task.clear_ibuf [dreg:s8], $0x6FFFF;
	_ =	strace $0x90000046  }
0xb9: {  	s29 =	simm.s32 $0x9;
	_ =	strace $0x80000048  }
0xba: {  	_ =	swait.ge [sflag:s29], $0x1  }
0xbb: {  	[sflag:s29] =	ssyncadd.s32 $0xFFFFFFFF  }
0xbc: {  	_ =	strace $0x90000048  }
0xbd: {  	_ =	sfence  }
0xbe: {  	s30 =	sld [smem:$0x0];
	_ =	sdelay $0x2  }
0xbf: {  	s31 =	sshll.u32 s1, $0xD;
	s1 =	sshrl.u32 s1, $0x2  }
0xc0: {  	s3 =	sand.u32 $0x4000, s31;
	s1 =	sadd.s32 s1, s30  }
0xc1: {  	s0 =	sor.u32 s3, s0;
	s1 =	sshll.u32 s1, $0x11  }
0xc2: {  	s0 =	sor.u32 s1, s0  }
0xc3: {  	s0 =	sadd.s32 $0x8F2B, s0  }
0xc4: {  	[sflag:s0] =	ssyncadd.remote.s32 $0x1  }
0xc5: {  	_ =	sfence.sel $0xFFFF  }
0xc6: {  	[dreg:$0x0] =	wrdreg $0xFFFFFFFF;
	(pc) =	sbr.abs _section_cstart, $3  }
0xc7: {  	[dreg:$0x1] =	wrdreg $0xFFFFFFFF  }
0xc8: {  	_ =	task.clear_ibuf [dreg:s8], $0x2FFFF;
	_ =	strace $0x9FFFFFFF  }
0xc9: {  	(tm) =	ssettm $0x7FFFFFFF  }
tec
execute0_lowered:
.L_overlay_start_1:
0x0: {  	(tag) =	ssettag $0x1  }
0x1: {  	s6 =	rddreg [dreg:$0x0]  }
0x2: {  	s1 =	srdreg.scid;
	s5 =	rddreg [dreg:$0x1]  }
0x3: {  	s0 =	stileid.u32;
	s3 =	rddreg [dreg:$0x2]  }
0x4: {  	s2 =	simm.s32 $0x0;
	s7 =	simm.s32 $0x1;
	s11 =	simm.s32 $0x1080  }
0x5: {  	s12 =	simm.s32 $0x1880;
	s13 =	simm.s32 $0x2080;
	s14 =	simm.s32 $0x2880  }
0x6: {  	s15 =	simm.s32 $0x3080;
	s16 =	simm.s32 $0x3880;
	s17 =	simm.s32 $0x4080  }
0x7: {  	s18 =	simm.s32 $0x4880;
	s19 =	simm.s32 $0x5080;
	s4 =	sand.u32 $0x1, s1  }
0x8: {  	s20 =	simm.s32 $0x5880;
	s21 =	simm.s32 $0x6080;
	s1 =	sor.u32 s4, s0  }
0x9: {  	s22 =	simm.s32 $0x6880;
	p0 =	seq.s32 s4, $0x1;
	p1 =	seq.s32 s1, $0x0  }
0xa: {  	s23 =	simm.s32 $0x7080;
	s24 =	simm.s32 $0x7880;
	p0 =	por !p1, !p0  }
0xb: {  	s25 =	simm.s32 $0x3;
	[smem:$0x7FF] =	sst s2;
	p0 =	por !p0, !p0  }
0xc: {  	s3 =	sadd.s32 $0x1000, s3;
	s8 =	ssub.s32 $0x2, s4;
	s7 =	simm.s32 @!p0 $0x0  }
0xd: {  	s4 =	sshll.u32 s4, $0xB;
	s1 =	rddreg [dreg:$0x3];
	s7 =	ssub.s32 s0, s7  }
0xe: {  	_ =	strace $0x80000047;
	s9 =	sshrl.u32 s8, $0x1;
	s10 =	sshll.u32 s7, $0x7  }
0xf: {  	s8 =	ssub.s32 s8, s9;
	s7 =	sshll.u32 s7, $0xC;
	s31 =	sadd.s32 s4, s10  }
0x10: {  	v2 =	vlaneseq.u32;
	s4 =	simm.s32 $0x1;
	s7 =	sand.u32 $0x1FFFF000, s7;
	s10 =	simm.s32 $0x880  }
0x11: {  	vm0 =	vmmov $0xffff;
	v1 =	vshrl.u32 v2, $0x3;
	s9 =	sshrl.u32 s31, $0x3;
	s6 =	sadd.s32 s6, s7;
	s7 =	smax.u32 s8, $0x1  }
0x12: {  	v0 =	vand.u32 $0x7, v2;
	v2 =	vor.u32 $0x8, v2;
	v1 =	vmul.u32 $0x8, v1;
	s8 =	simm.s32 $0x80;
	s5 =	sadd.s32 s5, s9;
	s9 =	simm.s32 $0x2  }
.LBB2_1:
0x13: {  	[tilespmem:s2], [sflag:$0x1] =	stream.linear.gather [hbm4b:s5+s2], $0x80, $0x38;
	[tilespmem:$0x8080] =	vst v63  }
0x14: {  	_ = 	snop  }
0x15: {  	[tilespmem:s8], [sflag:$0x2] =	stream.linear.gather [hbm4b:s6+s2], $0x8000, $0x38;
	[tilespmem:$0x8080] =	vst v63  }
0x16: {  	_ =	swait.ge [sflag:s4], $0x80  }
0x17: {  	[sflag:s4] =	ssyncset.done $0x0  }
0x18: {  	[sflag:s4] =	ssyncadd.s32 $0xFFFFFF80  }
0x19: {  	_ =	swait.ge [sflag:s9], $0x8000  }
0x1a: {  	[sflag:s9] =	ssyncset.done $0x0  }
0x1b: {  	[sflag:s9] =	ssyncadd.s32 $0xFFFF8000  }
0x1c: {  	v3 =	vld [tilespmem:$0x0];
	_ =	sdelay $0x4  }
0x1d: {  	v4 =	vshll.u32 v3, $0x1  }
0x1e: {  	v3 =	vand.u32 $0x7, v3;
	v4 =	vand.u32 $0xFFFFFFF0, v4  }
0x1f: {  	v3 =	vor.u32 v3, v4  }
0x20: {  	v4 =	vperm.xlane v3, v0;
	_ =	sdelay $0x1  }
0x21: {  	v3 =	vperm.xlane v3, v2;
	v4 =	vadd.s32 v1, v4;
	_ =	sdelay $0x1  }
0x22: {  	v3 =	vadd.s32 v1, v3;
	_ =	sdelay $0x2  }
0x23: {  	[hbm4b:s3+s2] =	stream.indirect_vreg.scatter [tilespmem:s8], [sflag:$0x3], $0x80, v4, vm0, $0xb8;
	[tilespmem:$0x8080] =	vst v63  }
0x24: {  	_ = 	snop  }
0x25: {  	[hbm4b:s3+s2] =	stream.indirect_vreg.scatter [tilespmem:s10], [sflag:$0x3], $0x80, v3, vm0, $0xb8;
	[tilespmem:$0x8080] =	vst v63  }
0x26: {  	v3 =	vld [tilespmem:$0x10];
	_ =	sdelay $0x4  }
0x27: {  	v57 =	vshll.u32 v3, $0x1  }
0x28: {  	v3 =	vand.u32 $0x7, v3;
	v4 =	vand.u32 $0xFFFFFFF0, v57  }
0x29: {  	v3 =	vor.u32 v3, v4  }
0x2a: {  	v4 =	vperm.xlane v3, v0;
	_ =	sdelay $0x1  }
0x2b: {  	v3 =	vperm.xlane v3, v2;
	v4 =	vadd.s32 v1, v4;
	_ =	sdelay $0x1  }
0x2c: {  	v3 =	vadd.s32 v1, v3;
	_ =	sdelay $0x2  }
0x2d: {  	[hbm4b:s3+s2] =	stream.indirect_vreg.scatter [tilespmem:s11], [sflag:$0x3], $0x80, v4, vm0, $0xb8;
	[tilespmem:$0x8080] =	vst v63  }
0x2e: {  	_ = 	snop  }
0x2f: {  	[hbm4b:s3+s2] =	stream.indirect_vreg.scatter [tilespmem:s12], [sflag:$0x3], $0x80, v3, vm0, $0xb8;
	[tilespmem:$0x8080] =	vst v63  }
0x30: {  	v3 =	vld [tilespmem:$0x20];
	_ =	sdelay $0x4  }
0x31: {  	v58 =	vshll.u32 v3, $0x1  }
0x32: {  	v3 =	vand.u32 $0x7, v3;
	v4 =	vand.u32 $0xFFFFFFF0, v58  }
0x33: {  	v3 =	vor.u32 v3, v4  }
0x34: {  	v4 =	vperm.xlane v3, v0;
	_ =	sdelay $0x1  }
0x35: {  	v3 =	vperm.xlane v3, v2;
	v4 =	vadd.s32 v1, v4;
	_ =	sdelay $0x1  }
0x36: {  	v3 =	vadd.s32 v1, v3;
	_ =	sdelay $0x2  }
0x37: {  	[hbm4b:s3+s2] =	stream.indirect_vreg.scatter [tilespmem:s13], [sflag:$0x3], $0x80, v4, vm0, $0xb8;
	[tilespmem:$0x8080] =	vst v63  }
0x38: {  	_ = 	snop  }
0x39: {  	[hbm4b:s3+s2] =	stream.indirect_vreg.scatter [tilespmem:s14], [sflag:$0x3], $0x80, v3, vm0, $0xb8;
	[tilespmem:$0x8080] =	vst v63  }
0x3a: {  	v3 =	vld [tilespmem:$0x30];
	_ =	sdelay $0x4  }
0x3b: {  	v59 =	vshll.u32 v3, $0x1  }
0x3c: {  	v3 =	vand.u32 $0x7, v3;
	v4 =	vand.u32 $0xFFFFFFF0, v59  }
0x3d: {  	v3 =	vor.u32 v3, v4  }
0x3e: {  	v4 =	vperm.xlane v3, v0;
	_ =	sdelay $0x1  }
0x3f: {  	v3 =	vperm.xlane v3, v2;
	v4 =	vadd.s32 v1, v4;
	_ =	sdelay $0x1  }
0x40: {  	v3 =	vadd.s32 v1, v3;
	_ =	sdelay $0x2  }
0x41: {  	[hbm4b:s3+s2] =	stream.indirect_vreg.scatter [tilespmem:s15], [sflag:$0x3], $0x80, v4, vm0, $0xb8;
	[tilespmem:$0x8080] =	vst v63  }
0x42: {  	_ = 	snop  }
0x43: {  	[hbm4b:s3+s2] =	stream.indirect_vreg.scatter [tilespmem:s16], [sflag:$0x3], $0x80, v3, vm0, $0xb8;
	[tilespmem:$0x8080] =	vst v63  }
0x44: {  	v3 =	vld [tilespmem:$0x40];
	_ =	sdelay $0x4  }
0x45: {  	v60 =	vshll.u32 v3, $0x1  }
0x46: {  	v3 =	vand.u32 $0x7, v3;
	v4 =	vand.u32 $0xFFFFFFF0, v60  }
0x47: {  	v3 =	vor.u32 v3, v4  }
0x48: {  	v4 =	vperm.xlane v3, v0;
	_ =	sdelay $0x1  }
0x49: {  	v3 =	vperm.xlane v3, v2;
	v4 =	vadd.s32 v1, v4;
	_ =	sdelay $0x1  }
0x4a: {  	v3 =	vadd.s32 v1, v3;
	_ =	sdelay $0x2  }
0x4b: {  	[hbm4b:s3+s2] =	stream.indirect_vreg.scatter [tilespmem:s17], [sflag:$0x3], $0x80, v4, vm0, $0xb8;
	[tilespmem:$0x8080] =	vst v63  }
0x4c: {  	_ = 	snop  }
0x4d: {  	[hbm4b:s3+s2] =	stream.indirect_vreg.scatter [tilespmem:s18], [sflag:$0x3], $0x80, v3, vm0, $0xb8;
	[tilespmem:$0x8080] =	vst v63  }
0x4e: {  	v3 =	vld [tilespmem:$0x50];
	_ =	sdelay $0x4  }
0x4f: {  	v61 =	vshll.u32 v3, $0x1  }
0x50: {  	v3 =	vand.u32 $0x7, v3;
	v4 =	vand.u32 $0xFFFFFFF0, v61  }
0x51: {  	v3 =	vor.u32 v3, v4  }
0x52: {  	v4 =	vperm.xlane v3, v0;
	_ =	sdelay $0x1  }
0x53: {  	v3 =	vperm.xlane v3, v2;
	v4 =	vadd.s32 v1, v4;
	_ =	sdelay $0x1  }
0x54: {  	v3 =	vadd.s32 v1, v3;
	_ =	sdelay $0x2  }
0x55: {  	[hbm4b:s3+s2] =	stream.indirect_vreg.scatter [tilespmem:s19], [sflag:$0x3], $0x80, v4, vm0, $0xb8;
	[tilespmem:$0x8080] =	vst v63  }
0x56: {  	_ = 	snop  }
0x57: {  	[hbm4b:s3+s2] =	stream.indirect_vreg.scatter [tilespmem:s20], [sflag:$0x3], $0x80, v3, vm0, $0xb8;
	[tilespmem:$0x8080] =	vst v63  }
0x58: {  	v3 =	vld [tilespmem:$0x60];
	_ =	sdelay $0x4  }
0x59: {  	v62 =	vshll.u32 v3, $0x1  }
0x5a: {  	v3 =	vand.u32 $0x7, v3;
	v4 =	vand.u32 $0xFFFFFFF0, v62  }
0x5b: {  	v3 =	vor.u32 v3, v4  }
0x5c: {  	v4 =	vperm.xlane v3, v0;
	_ =	sdelay $0x1  }
0x5d: {  	v3 =	vperm.xlane v3, v2;
	v4 =	vadd.s32 v1, v4;
	_ =	sdelay $0x1  }
0x5e: {  	v3 =	vadd.s32 v1, v3;
	_ =	sdelay $0x2  }
0x5f: {  	[hbm4b:s3+s2] =	stream.indirect_vreg.scatter [tilespmem:s21], [sflag:$0x3], $0x80, v4, vm0, $0xb8;
	[tilespmem:$0x8080] =	vst v63  }
0x60: {  	_ = 	snop  }
0x61: {  	[hbm4b:s3+s2] =	stream.indirect_vreg.scatter [tilespmem:s22], [sflag:$0x3], $0x80, v3, vm0, $0xb8;
	[tilespmem:$0x8080] =	vst v63  }
0x62: {  	v3 =	vld [tilespmem:$0x70];
	_ =	sdelay $0x4  }
0x63: {  	v63 =	vshll.u32 v3, $0x1  }
0x64: {  	v3 =	vand.u32 $0x7, v3;
	v4 =	vand.u32 $0xFFFFFFF0, v63  }
0x65: {  	v3 =	vor.u32 v3, v4  }
0x66: {  	v4 =	vperm.xlane v3, v0;
	_ =	sdelay $0x1  }
0x67: {  	v3 =	vperm.xlane v3, v2;
	v4 =	vadd.s32 v1, v4;
	_ =	sdelay $0x1  }
0x68: {  	v3 =	vadd.s32 v1, v3;
	_ =	sdelay $0x1  }
0x69: {  	p0 =	sne.s32 s7, $0x1  }
0x6a: {  	[hbm4b:s3+s2] =	stream.indirect_vreg.scatter [tilespmem:s23], [sflag:$0x3], $0x80, v4, vm0, $0xb8;
	[tilespmem:$0x8080] =	vst v63  }
.Ltmp0:
0x6b: {  	_ = 	snop;
	(pc) =	sbr.rel @p0 .LBB2_1-.Ltmp0, $4  }
0x6c: {  	[hbm4b:s3+s2] =	stream.indirect_vreg.scatter [tilespmem:s24], [sflag:$0x3], $0x80, v3, vm0, $0xb8;
	[tilespmem:$0x8080] =	vst v63  }
0x6d: {  	_ =	swait.ge [sflag:s25], $0x8000  }
0x6e: {  	[sflag:s25] =	ssyncset.done $0x0  }
0x6f: {  	s7 =	sadd.s32 $0xFFFFFFFF, s7;
	[sflag:s25] =	ssyncadd.s32 $0xFFFF8000  }
0x70: {  	_ =	sfence.sel $0x180000  }
0x71: {  	[bflag:$0x0] =	sbarrier.arrive $0xFFFF  }
0x72: {  	p0 =	sne.s32 s0, $0x0;
	_ =	strace $0x90000047  }
0x73: {  	s0 =	sadd.s32 @!p0 $0x100000, s1;
	[bflag:$0x2] =	sbarrier.arrive $0xFFFF  }
0x74: {  	[sflag:s0] =	ssyncadd.tile.s32 @!p0 $0x1;
	_ =	shalt  }
.Lfunc_end2:
_tile_overlayer_lowered:
.L_overlay_start_2:
0x75: {  	(tag) =	ssettag $0x2  }
0x76: {  	s0 =	rddreg [dreg:$0x0];
	s2 =	stileid.u32  }
0x77: {  	s1 =	rddreg [dreg:$0x1];
	p0 =	sne.s32 s2, $0x0  }
0x78: {  	s3 =	rddreg [dreg:$0x2];
	[bflag:$0x3] =	sbarrier.arrive $0xFFFF;
	s2 =	simm.s32 @!p0 $0x1C03  }
0x79: {  	[timem:s3], [sflag:s2] =	dma.local @!p0 [hbm:s0], s1  }
0x7a: {  	s0 =	simm.s32 @!p0 $0x3  }
0x7b: {  	_ =	swait.ge @!p0 [sflag:s0], s1  }
0x7c: {  	s1 =	ssub.s32 @!p0 $0x0, s1;
	[sflag:s0] =	ssyncset.done @!p0 $0x0  }
0x7d: {  	[sflag:s0] =	ssyncadd.s32 @!p0 s1  }
0x7e: {  	[bflag:$0x3] =	sbarrier.arrive $0xFFFF  }
0x7f: {  	_ =	shalt  }

</sc_bundles>
